<compile_context>
chip_gen: v7x
topology: tpu7x:2x2x1
jax: 0.10.2.dev20260603
libtpu: 0.0.44.dev20260713+nightly
codegen_flags: <defaults>
</compile_context>

<pallas_src>
import functools

import jax
import jax.numpy as jnp
from jax import lax
from jax.experimental import pallas as pl
from jax.experimental.pallas import tpu as pltpu
from jax.experimental.pallas import tpu_sc as plsc

_ANCHORS = ((116.0, 90.0), (156.0, 198.0), (373.0, 326.0))
_IMG = 512.0
_IGNORE_THR = 0.5
_LXY = 2.5
_LCONF = 5.0
_EPS = 1e-12
_TOP = 1.0 - 1e-12




def _tc_body(hbm_ref, out_ref, bufs, dsem, *, in_h, in_w, n_total, bs, bb):
    ng = bs // bb

    def chunk_copy(g, a):
        return pltpu.make_async_copy(
            hbm_ref.at[pl.ds(g * bb, bb), 3 * a + 2, :, :],
            bufs.at[pl.ds(g * bb, bb), a], dsem.at[3 * g + a])

    for g in range(ng):
        for a in range(3):
            chunk_copy(g, a).start()

    acc = jnp.zeros((8, in_w), jnp.float32)
    for g in range(ng):
        for a in range(3):
            chunk_copy(g, a).wait()
        z = bufs[g * bb:(g + 1) * bb]
        l = jnp.log1p(jnp.exp(z))
        acc = acc + jnp.sum(
            l.reshape(bb * 3 * in_h // 8, 8, in_w), axis=0)

    out_ref[0, 0] = 0.5 * _LCONF * jnp.sum(acc) / n_total


def _tc_dense(input):
    bs, ch, in_h, in_w = input.shape
    bb = 2
    body = functools.partial(_tc_body, in_h=in_h, in_w=in_w,
                             n_total=float(bs * 3 * in_h * in_w),
                             bs=bs, bb=bb)
    return pl.pallas_call(
        body,
        grid=(1,),
        in_specs=[pl.BlockSpec(memory_space=pl.ANY)],
        out_specs=pl.BlockSpec((1, 1), lambda i: (0, 0),
                               memory_space=pltpu.SMEM),
        out_shape=jax.ShapeDtypeStruct((1, 1), jnp.float32),
        scratch_shapes=[
            pltpu.VMEM((bs, 3, in_h, in_w), jnp.float32),
            pltpu.SemaphoreType.DMA((3 * bs // bb,)),
        ],
    )(input)




def _sw_ln(x):
    bits = lax.bitcast_convert_type(x, jnp.int32)
    e = ((bits >> 23) & 0xFF) - 127
    m = lax.bitcast_convert_type((bits & 0x7FFFFF) | 0x3F800000, jnp.float32)
    r = (m - 1.0) / (m + 1.0)
    r2 = r * r
    lnm = 2.0 * r * (1.0 + r2 * (1.0 / 3.0 + r2 * (0.2 + r2 * (1.0 / 7.0))))
    return 0.6931471805599453 * e.astype(jnp.float32) + lnm


def _ln1p_exp(z):
    return _sw_ln(1.0 + jnp.exp(z))


def _sc_sparse(table, targets_t, *, bs, in_h, in_w, ch, n_total):
    mesh = plsc.VectorSubcoreMesh(core_axis_name="c", subcore_axis_name="s")

    @functools.partial(
        pl.kernel, mesh=mesh,
        out_type=jax.ShapeDtypeStruct((bs,), jnp.float32),
        scratch_types=[
            pltpu.VMEM((5, bs), jnp.float32),
            pltpu.VMEM((5 * bs,), jnp.int32),
            pltpu.VMEM((5 * bs,), jnp.float32),
            pltpu.VMEM((bs,), jnp.float32),
            pltpu.SemaphoreType.DMA,
        ],
    )
    def sc_kernel(t_hbm, table_hbm, out_hbm, tv, idxv, gath, res, sem):
        cid = lax.axis_index("c")
        sid = lax.axis_index("s")

        @pl.when((cid == 0) & (sid == 0))
        def _():
            pltpu.sync_copy(t_hbm, tv)
            lanes = lax.iota(jnp.int32, bs)

            gx = tv[1, :] * float(in_w)
            gy = tv[2, :] * float(in_h)
            gw = tv[3, :] * float(in_w)
            gh = tv[4, :] * float(in_h)
            gi = gx.astype(jnp.int32)
            gj = gy.astype(jnp.int32)
            tx = gx - gi.astype(jnp.float32)
            ty = gy - gj.astype(jnp.float32)

            ious = []
            for aw, ah in _ANCHORS:
                aw = aw / (_IMG / in_w)
                ah = ah / (_IMG / in_h)
                inter = (jnp.maximum(jnp.minimum(gw, aw), 0.0)
                         * jnp.maximum(jnp.minimum(gh, ah), 0.0))
                union = gw * gh + aw * ah - inter + 1e-16
                ious.append(inter / union)
            best = jnp.zeros((bs,), jnp.int32)
            bv = ious[0]
            best = jnp.where(ious[1] > bv, jnp.int32(1), best)
            bv = jnp.maximum(bv, ious[1])
            best = jnp.where(ious[2] > bv, jnp.int32(2), best)

            base = (lanes * (ch * in_h) + gj) * in_w + gi
            idxv[pl.ds(0 * bs, bs)] = base + (2 * in_h) * in_w
            idxv[pl.ds(1 * bs, bs)] = base + (5 * in_h) * in_w
            idxv[pl.ds(2 * bs, bs)] = base + (8 * in_h) * in_w
            idxv[pl.ds(3 * bs, bs)] = base + (3 * best) * in_h * in_w
            idxv[pl.ds(4 * bs, bs)] = base + (3 * best + 1) * in_h * in_w

            pltpu.async_copy(table_hbm.at[idxv], gath, sem).wait()

            vals = [gath[pl.ds(g * bs, bs)] for g in range(5)]

            sparse = jnp.zeros((bs,), jnp.float32)
            for a in range(3):
                zc = vals[a]
                sparse -= jnp.where(ious[a] > _IGNORE_THR,
                                    0.5 * _LCONF * _ln1p_exp(zc), 0.0)
                sparse += jnp.where(best == a,
                                    _LCONF * _ln1p_exp(-zc), 0.0)
            for z_v, t_v in ((vals[3], tx), (vals[4], ty)):
                bce = (t_v * _ln1p_exp(-z_v) + (1.0 - t_v) * _ln1p_exp(z_v))
                sparse += _LXY * bce

            res[...] = sparse * (1.0 / n_total)
            pltpu.sync_copy(res, out_hbm)

    return sc_kernel(targets_t, table)




def kernel(input, targets):
    bs, ch, in_h, in_w = input.shape
    n_total = float(bs * 3 * in_h * in_w)
    dense = _tc_dense(input)
    table = input.reshape(bs * ch * in_h * in_w)
    targets_t = targets.reshape(bs, 5).T
    sparse = _sc_sparse(table, targets_t, bs=bs, in_h=in_h, in_w=in_w,
                        ch=ch, n_total=n_total)
    return dense[0, 0] + jnp.sum(sparse)

# --- scband reference (transcript-rebuilt; emitter-appended) ---
"""Pipeline reference for scband-yololoss-hrnet-8160437862931 (READ-ONLY COPY).

The authoritative reference and input builder live on the scoring server;
editing this copy changes nothing except your own understanding.
"""

import jax, jax.numpy as jnp
import numpy as np

ANCHORS = np.array([[116.0, 90.0], [156.0, 198.0], [373.0, 326.0]], dtype=np.float32)
IMG_SIZE = (512, 512)
LAMBDA_XY = 2.5
LAMBDA_CONF = 5.0
IGNORE_THR = 0.5
NUM_ANCHORS = 3
BBOX_ATTRS = 3


def _bce(p, t):
    p = jnp.clip(p, 1e-12, 1.0 - 1e-12)
    return jnp.mean(-(t * jnp.log(p) + (1.0 - t) * jnp.log(1.0 - p)))


def _get_target(targets, scaled_anchors, in_w, in_h):
    bs = targets.shape[0]
    gx = targets[:, 0, 1] * in_w
    gy = targets[:, 0, 2] * in_h
    gw = targets[:, 0, 3] * in_w
    gh = targets[:, 0, 4] * in_h
    gi = jnp.floor(gx).astype(jnp.int32)
    gj = jnp.floor(gy).astype(jnp.int32)
    aw = scaled_anchors[:, 0]
    ah = scaled_anchors[:, 1]
    inter = jnp.clip(jnp.minimum(gw[:, None], aw[None, :]), 0.0) * jnp.clip(jnp.minimum(gh[:, None], ah[None, :]), 0.0)
    union = gw[:, None] * gh[:, None] + aw[None, :] * ah[None, :] - inter + 1e-16
    ious = inter / union
    best_n = jnp.argmax(ious, axis=1)
    best_oh = jax.nn.one_hot(best_n, NUM_ANCHORS, dtype=jnp.float32)
    cell_oh = jnp.zeros((bs, in_h, in_w), jnp.float32).at[jnp.arange(bs), gj, gi].set(1.0)
    mask = best_oh[:, :, None, None] * cell_oh[:, None, :, :]
    ignore = (ious > IGNORE_THR).astype(jnp.float32)
    noobj_mask = 1.0 - ignore[:, :, None, None] * cell_oh[:, None, :, :]
    tx = mask * (gx - jnp.floor(gx))[:, None, None, None]
    ty = mask * (gy - jnp.floor(gy))[:, None, None, None]
    return mask, noobj_mask, tx, ty


def setup_inputs(seed: int = 0):
    key = jax.random.key(seed)
    k1, k2 = jax.random.split(key)
    inp = jax.random.normal(k1, (16, NUM_ANCHORS * BBOX_ATTRS, 128, 128), dtype=jnp.float32)
    targets = jax.random.uniform(k2, (16, 1, 5), dtype=jnp.float32)
    return {"input": inp, "targets": targets}


def reference(input, targets):
    bs, _, in_h, in_w = input.shape
    stride_h = IMG_SIZE[1] / in_h
    stride_w = IMG_SIZE[0] / in_w
    scaled_anchors = jnp.asarray(ANCHORS) / jnp.array([stride_w, stride_h], jnp.float32)[None, :]
    prediction = input.reshape(bs, NUM_ANCHORS, BBOX_ATTRS, in_h, in_w).transpose(0, 1, 3, 4, 2)
    x = jax.nn.sigmoid(prediction[..., 0])
    y = jax.nn.sigmoid(prediction[..., 1])
    conf = jax.nn.sigmoid(prediction[..., 2])
    mask, noobj_mask, tx, ty = _get_target(targets, scaled_anchors, in_w, in_h)
    loss_x = _bce(x * mask, tx * mask)
    loss_y = _bce(y * mask, ty * mask)
    loss_conf = _bce(conf * mask, mask) + 0.5 * _bce(conf * noobj_mask, noobj_mask * 0.0)
    loss = loss_x * LAMBDA_XY + loss_y * LAMBDA_XY + loss_conf * LAMBDA_CONF
    return loss

if __name__ == "__main__":
    import jax
    _d = setup_inputs()
    print(jax.jit(kernel)(*tuple(_d.values())))

</pallas_src>

<mosaic_0001>
#map = affine_map<(d0, d1) -> (0, 0)>
#map1 = affine_map<(d0, d1) -> (0)>
module attributes {stable_mosaic.version = 14 : i64} {
  func.func @sc_kernel(%arg0: i32, %arg1: i32, %arg2: memref<5x16xf32, #tpu.memory_space<hbm>>, %arg3: memref<2359296xf32, #tpu.memory_space<hbm>>, %arg4: memref<16xf32, #tpu.memory_space<hbm>>, %arg5: memref<5x16xf32, #tpu.memory_space<vmem>>, %arg6: memref<80xi32, #tpu.memory_space<vmem>>, %arg7: memref<80xf32, #tpu.memory_space<vmem>>, %arg8: memref<16xf32, #tpu.memory_space<vmem>>, %arg9: memref<!tpu.dma_semaphore, #tpu.memory_space<semaphore_mem>>) attributes {dimension_semantics = [#tpu.dimension_semantics<core_parallel>, #tpu.dimension_semantics<subcore_parallel>], iteration_bounds = array<i64: 2, 16>, scalar_prefetch = 0 : i64, scratch_operands = 5 : i64, tpu.core_type = #tpu.core_type<sc_vector_subcore>, window_params = [{transform_indices = #map}, {transform_indices = #map1}, {transform_indices = #map1}]} {
    %eq3A = arith.constant 0 : i32
    %eq3A_0 = arith.cmpi eq, %arg0, %eq3A : i32
    %eq3A_1 = arith.constant 0 : i32
    %eq3A_2 = arith.cmpi eq, %arg1, %eq3A_1 : i32
    %and3A = arith.andi %eq3A_0, %eq3A_2 : i1
    %convert_element_type3A = arith.extui %and3A : i1 to i32
    %cond3A = arith.constant 0 : i32
    %cond3A_3 = arith.cmpi ne, %convert_element_type3A, %cond3A : i32
    scf.if %cond3A_3 {
      "tpu.region"() ({
        %run_scoped3A = tpu.sem_alloc : memref<!tpu.dma_semaphore, #tpu.memory_space<semaphore_mem>>
        tpu.enqueue_dma source(%arg2 : memref<5x16xf32, #tpu.memory_space<hbm>>) target(%arg5 : memref<5x16xf32, #tpu.memory_space<vmem>>) target_semaphore(%run_scoped3A : memref<!tpu.dma_semaphore, #tpu.memory_space<semaphore_mem>>)
        tpu.wait_dma2 semaphore(%run_scoped3A : memref<!tpu.dma_semaphore, #tpu.memory_space<semaphore_mem>>) src(%arg2 : memref<5x16xf32, #tpu.memory_space<hbm>>) dst(%arg5 : memref<5x16xf32, #tpu.memory_space<vmem>>)
        tpu.yield
      }) : () -> ()
      %iota3A = tpu.iota {dimensions = array<i32: 0>} : vector<16xi32>
      %get3A = arith.constant 1 : i32
      %get3A_4 = arith.index_cast %get3A : i32 to index
      %get3A_5 = arith.constant 0 : index
      %get3A_6 = tpu.vector_load %arg5[%get3A_4, %get3A_5] {strides = array<i32>} : memref<5x16xf32, #tpu.memory_space<vmem>>, vector<1x16xf32>,
      %get3A_7 = vector.shape_cast %get3A_6 : vector<1x16xf32> to vector<16xf32>
      %mul3A = arith.constant 1.280000e+02 : f32
      %mul3A_8 = vector.broadcast %mul3A : f32 to vector<16xf32>
      %mul3A_9 = arith.mulf %get3A_7, %mul3A_8 : vector<16xf32>
      %get3A_10 = arith.constant 2 : i32
      %get3A_11 = arith.index_cast %get3A_10 : i32 to index
      %get3A_12 = arith.constant 0 : index
      %get3A_13 = tpu.vector_load %arg5[%get3A_11, %get3A_12] {strides = array<i32>} : memref<5x16xf32, #tpu.memory_space<vmem>>, vector<1x16xf32>,
      %get3A_14 = vector.shape_cast %get3A_13 : vector<1x16xf32> to vector<16xf32>
      %mul3A_15 = arith.constant 1.280000e+02 : f32
      %mul3A_16 = vector.broadcast %mul3A_15 : f32 to vector<16xf32>
      %mul3A_17 = arith.mulf %get3A_14, %mul3A_16 : vector<16xf32>
      %get3A_18 = arith.constant 3 : i32
      %get3A_19 = arith.index_cast %get3A_18 : i32 to index
      %get3A_20 = arith.constant 0 : index
      %get3A_21 = tpu.vector_load %arg5[%get3A_19, %get3A_20] {strides = array<i32>} : memref<5x16xf32, #tpu.memory_space<vmem>>, vector<1x16xf32>,
      %get3A_22 = vector.shape_cast %get3A_21 : vector<1x16xf32> to vector<16xf32>
      %mul3A_23 = arith.constant 1.280000e+02 : f32
      %mul3A_24 = vector.broadcast %mul3A_23 : f32 to vector<16xf32>
      %mul3A_25 = arith.mulf %get3A_22, %mul3A_24 : vector<16xf32>
      %get3A_26 = arith.constant 4 : i32
      %get3A_27 = arith.index_cast %get3A_26 : i32 to index
      %get3A_28 = arith.constant 0 : index
      %get3A_29 = tpu.vector_load %arg5[%get3A_27, %get3A_28] {strides = array<i32>} : memref<5x16xf32, #tpu.memory_space<vmem>>, vector<1x16xf32>,
      %get3A_30 = vector.shape_cast %get3A_29 : vector<1x16xf32> to vector<16xf32>
      %mul3A_31 = arith.constant 1.280000e+02 : f32
      %mul3A_32 = vector.broadcast %mul3A_31 : f32 to vector<16xf32>
      %mul3A_33 = arith.mulf %get3A_30, %mul3A_32 : vector<16xf32>
      %convert_element_type3A_34 = arith.fptosi %mul3A_9 : vector<16xf32> to vector<16xi32>
      %convert_element_type3A_35 = arith.fptosi %mul3A_17 : vector<16xf32> to vector<16xi32>
      %convert_element_type3A_36 = arith.sitofp %convert_element_type3A_34 : vector<16xi32> to vector<16xf32>
      %sub3A = arith.subf %mul3A_9, %convert_element_type3A_36 : vector<16xf32>
      %convert_element_type3A_37 = arith.sitofp %convert_element_type3A_35 : vector<16xi32> to vector<16xf32>
      %sub3A_38 = arith.subf %mul3A_17, %convert_element_type3A_37 : vector<16xf32>
      %min3A = arith.constant 2.900000e+01 : f32
      %min3A_39 = vector.broadcast %min3A : f32 to vector<16xf32>
      %min3A_40 = arith.minimumf %mul3A_25, %min3A_39 : vector<16xf32>
      %max3A = arith.constant 0.000000e+00 : f32
      %max3A_41 = vector.broadcast %max3A : f32 to vector<16xf32>
      %max3A_42 = arith.maximumf %min3A_40, %max3A_41 : vector<16xf32>
      %min3A_43 = arith.constant 2.250000e+01 : f32
      %min3A_44 = vector.broadcast %min3A_43 : f32 to vector<16xf32>
      %min3A_45 = arith.minimumf %mul3A_33, %min3A_44 : vector<16xf32>
      %max3A_46 = arith.constant 0.000000e+00 : f32
      %max3A_47 = vector.broadcast %max3A_46 : f32 to vector<16xf32>
      %max3A_48 = arith.maximumf %min3A_45, %max3A_47 : vector<16xf32>
      %mul3A_49 = arith.mulf %max3A_42, %max3A_48 : vector<16xf32>
      %mul3A_50 = arith.mulf %mul3A_25, %mul3A_33 : vector<16xf32>
      %add3A = arith.constant 6.525000e+02 : f32
      %add3A_51 = vector.broadcast %add3A : f32 to vector<16xf32>
      %add3A_52 = arith.addf %mul3A_50, %add3A_51 : vector<16xf32>
      %sub3A_53 = arith.subf %add3A_52, %mul3A_49 : vector<16xf32>
      %add3A_54 = arith.constant 1.000000e-16 : f32
      %add3A_55 = vector.broadcast %add3A_54 : f32 to vector<16xf32>
      %add3A_56 = arith.addf %sub3A_53, %add3A_55 : vector<16xf32>
      %div3A = arith.divf %mul3A_49, %add3A_56 : vector<16xf32>
      %min3A_57 = arith.constant 3.900000e+01 : f32
      %min3A_58 = vector.broadcast %min3A_57 : f32 to vector<16xf32>
      %min3A_59 = arith.minimumf %mul3A_25, %min3A_58 : vector<16xf32>
      %max3A_60 = arith.constant 0.000000e+00 : f32
      %max3A_61 = vector.broadcast %max3A_60 : f32 to vector<16xf32>
      %max3A_62 = arith.maximumf %min3A_59, %max3A_61 : vector<16xf32>
      %min3A_63 = arith.constant 4.950000e+01 : f32
      %min3A_64 = vector.broadcast %min3A_63 : f32 to vector<16xf32>
      %min3A_65 = arith.minimumf %mul3A_33, %min3A_64 : vector<16xf32>
      %max3A_66 = arith.constant 0.000000e+00 : f32
      %max3A_67 = vector.broadcast %max3A_66 : f32 to vector<16xf32>
      %max3A_68 = arith.maximumf %min3A_65, %max3A_67 : vector<16xf32>
      %mul3A_69 = arith.mulf %max3A_62, %max3A_68 : vector<16xf32>
      %mul3A_70 = arith.mulf %mul3A_25, %mul3A_33 : vector<16xf32>
      %add3A_71 = arith.constant 1.930500e+03 : f32
      %add3A_72 = vector.broadcast %add3A_71 : f32 to vector<16xf32>
      %add3A_73 = arith.addf %mul3A_70, %add3A_72 : vector<16xf32>
      %sub3A_74 = arith.subf %add3A_73, %mul3A_69 : vector<16xf32>
      %add3A_75 = arith.constant 1.000000e-16 : f32
      %add3A_76 = vector.broadcast %add3A_75 : f32 to vector<16xf32>
      %add3A_77 = arith.addf %sub3A_74, %add3A_76 : vector<16xf32>
      %div3A_78 = arith.divf %mul3A_69, %add3A_77 : vector<16xf32>
      %min3A_79 = arith.constant 9.325000e+01 : f32
      %min3A_80 = vector.broadcast %min3A_79 : f32 to vector<16xf32>
      %min3A_81 = arith.minimumf %mul3A_25, %min3A_80 : vector<16xf32>
      %max3A_82 = arith.constant 0.000000e+00 : f32
      %max3A_83 = vector.broadcast %max3A_82 : f32 to vector<16xf32>
      %max3A_84 = arith.maximumf %min3A_81, %max3A_83 : vector<16xf32>
      %min3A_85 = arith.constant 8.150000e+01 : f32
      %min3A_86 = vector.broadcast %min3A_85 : f32 to vector<16xf32>
      %min3A_87 = arith.minimumf %mul3A_33, %min3A_86 : vector<16xf32>
      %max3A_88 = arith.constant 0.000000e+00 : f32
      %max3A_89 = vector.broadcast %max3A_88 : f32 to vector<16xf32>
      %max3A_90 = arith.maximumf %min3A_87, %max3A_89 : vector<16xf32>
      %mul3A_91 = arith.mulf %max3A_84, %max3A_90 : vector<16xf32>
      %mul3A_92 = arith.mulf %mul3A_25, %mul3A_33 : vector<16xf32>
      %add3A_93 = arith.constant 7599.875 : f32
      %add3A_94 = vector.broadcast %add3A_93 : f32 to vector<16xf32>
      %add3A_95 = arith.addf %mul3A_92, %add3A_94 : vector<16xf32>
      %sub3A_96 = arith.subf %add3A_95, %mul3A_91 : vector<16xf32>
      %add3A_97 = arith.constant 1.000000e-16 : f32
      %add3A_98 = vector.broadcast %add3A_97 : f32 to vector<16xf32>
      %add3A_99 = arith.addf %sub3A_96, %add3A_98 : vector<16xf32>
      %div3A_100 = arith.divf %mul3A_91, %add3A_99 : vector<16xf32>
      %broadcast_in_dim3A = arith.constant 0 : i32
      %broadcast_in_dim3A_101 = vector.broadcast %broadcast_in_dim3A : i32 to vector<16xi32>
      %gt3A = arith.cmpf ogt, %div3A_78, %div3A : vector<16xf32>
      %jit3A = arith.constant 1 : i32
      %broadcast_in_dim3A_102 = vector.broadcast %jit3A : i32 to vector<16xi32>
      %select_n3A = arith.select %gt3A, %broadcast_in_dim3A_102, %broadcast_in_dim3A_101 : vector<16xi1>, vector<16xi32>
      %max3A_103 = arith.maximumf %div3A, %div3A_78 : vector<16xf32>
      %gt3A_104 = arith.cmpf ogt, %div3A_100, %max3A_103 : vector<16xf32>
      %jit3A_105 = arith.constant 2 : i32
      %broadcast_in_dim3A_106 = vector.broadcast %jit3A_105 : i32 to vector<16xi32>
      %select_n3A_107 = arith.select %gt3A_104, %broadcast_in_dim3A_106, %select_n3A : vector<16xi1>, vector<16xi32>
      %mul3A_108 = arith.constant 1152 : i32
      %mul3A_109 = vector.broadcast %mul3A_108 : i32 to vector<16xi32>
      %mul3A_110 = arith.muli %iota3A, %mul3A_109 : vector<16xi32>
      %add3A_111 = arith.addi %mul3A_110, %convert_element_type3A_35 : vector<16xi32>
      %mul3A_112 = arith.constant 128 : i32
      %mul3A_113 = vector.broadcast %mul3A_112 : i32 to vector<16xi32>
      %mul3A_114 = arith.muli %add3A_111, %mul3A_113 : vector<16xi32>
      %add3A_115 = arith.addi %mul3A_114, %convert_element_type3A_34 : vector<16xi32>
      %add3A_116 = arith.constant 32768 : i32
      %add3A_117 = vector.broadcast %add3A_116 : i32 to vector<16xi32>
      %add3A_118 = arith.addi %add3A_115, %add3A_117 : vector<16xi32>
      %swap3A = arith.constant 0 : index
      %swap3A_119 = tpu.vector_load %arg6[%swap3A] {strides = array<i32>} : memref<80xi32, #tpu.memory_space<vmem>>, vector<16xi32>,
      %swap3A_120 = vector.shape_cast %swap3A_119 : vector<16xi32> to vector<16xi32>
      %swap3A_121 = vector.shape_cast %add3A_118 : vector<16xi32> to vector<16xi32>
      tpu.vector_store %arg6[%swap3A], %swap3A_121 {strides = array<i32>} : memref<80xi32, #tpu.memory_space<vmem>>, vector<16xi32>,
      %add3A_122 = arith.constant 81920 : i32
      %add3A_123 = vector.broadcast %add3A_122 : i32 to vector<16xi32>
      %add3A_124 = arith.addi %add3A_115, %add3A_123 : vector<16xi32>
      %swap3A_125 = arith.constant 16 : index
      %swap3A_126 = tpu.vector_load %arg6[%swap3A_125] {strides = array<i32>} : memref<80xi32, #tpu.memory_space<vmem>>, vector<16xi32>,
      %swap3A_127 = vector.shape_cast %swap3A_126 : vector<16xi32> to vector<16xi32>
      %swap3A_128 = vector.shape_cast %add3A_124 : vector<16xi32> to vector<16xi32>
      tpu.vector_store %arg6[%swap3A_125], %swap3A_128 {strides = array<i32>} : memref<80xi32, #tpu.memory_space<vmem>>, vector<16xi32>,
      %add3A_129 = arith.constant 131072 : i32
      %add3A_130 = vector.broadcast %add3A_129 : i32 to vector<16xi32>
      %add3A_131 = arith.addi %add3A_115, %add3A_130 : vector<16xi32>
      %swap3A_132 = arith.constant 32 : index
      %swap3A_133 = tpu.vector_load %arg6[%swap3A_132] {strides = array<i32>} : memref<80xi32, #tpu.memory_space<vmem>>, vector<16xi32>,
      %swap3A_134 = vector.shape_cast %swap3A_133 : vector<16xi32> to vector<16xi32>
      %swap3A_135 = vector.shape_cast %add3A_131 : vector<16xi32> to vector<16xi32>
      tpu.vector_store %arg6[%swap3A_132], %swap3A_135 {strides = array<i32>} : memref<80xi32, #tpu.memory_space<vmem>>, vector<16xi32>,
      %mul3A_136 = arith.constant 3 : i32
      %mul3A_137 = vector.broadcast %mul3A_136 : i32 to vector<16xi32>
      %mul3A_138 = arith.muli %mul3A_137, %select_n3A_107 : vector<16xi32>
      %mul3A_139 = arith.constant 128 : i32
      %mul3A_140 = vector.broadcast %mul3A_139 : i32 to vector<16xi32>
      %mul3A_141 = arith.muli %mul3A_138, %mul3A_140 : vector<16xi32>
      %mul3A_142 = arith.constant 128 : i32
      %mul3A_143 = vector.broadcast %mul3A_142 : i32 to vector<16xi32>
      %mul3A_144 = arith.muli %mul3A_141, %mul3A_143 : vector<16xi32>
      %add3A_145 = arith.addi %add3A_115, %mul3A_144 : vector<16xi32>
      %swap3A_146 = arith.constant 48 : index
      %swap3A_147 = tpu.vector_load %arg6[%swap3A_146] {strides = array<i32>} : memref<80xi32, #tpu.memory_space<vmem>>, vector<16xi32>,
      %swap3A_148 = vector.shape_cast %swap3A_147 : vector<16xi32> to vector<16xi32>
      %swap3A_149 = vector.shape_cast %add3A_145 : vector<16xi32> to vector<16xi32>
      tpu.vector_store %arg6[%swap3A_146], %swap3A_149 {strides = array<i32>} : memref<80xi32, #tpu.memory_space<vmem>>, vector<16xi32>,
      %mul3A_150 = arith.constant 3 : i32
      %mul3A_151 = vector.broadcast %mul3A_150 : i32 to vector<16xi32>
      %mul3A_152 = arith.muli %mul3A_151, %select_n3A_107 : vector<16xi32>
      %add3A_153 = arith.constant 1 : i32
      %add3A_154 = vector.broadcast %add3A_153 : i32 to vector<16xi32>
      %add3A_155 = arith.addi %mul3A_152, %add3A_154 : vector<16xi32>
      %mul3A_156 = arith.constant 128 : i32
      %mul3A_157 = vector.broadcast %mul3A_156 : i32 to vector<16xi32>
      %mul3A_158 = arith.muli %add3A_155, %mul3A_157 : vector<16xi32>
      %mul3A_159 = arith.constant 128 : i32
      %mul3A_160 = vector.broadcast %mul3A_159 : i32 to vector<16xi32>
      %mul3A_161 = arith.muli %mul3A_158, %mul3A_160 : vector<16xi32>
      %add3A_162 = arith.addi %add3A_115, %mul3A_161 : vector<16xi32>
      %swap3A_163 = arith.constant 64 : index
      %swap3A_164 = tpu.vector_load %arg6[%swap3A_163] {strides = array<i32>} : memref<80xi32, #tpu.memory_space<vmem>>, vector<16xi32>,
      %swap3A_165 = vector.shape_cast %swap3A_164 : vector<16xi32> to vector<16xi32>
      %swap3A_166 = vector.shape_cast %add3A_162 : vector<16xi32> to vector<16xi32>
      tpu.vector_store %arg6[%swap3A_163], %swap3A_166 {strides = array<i32>} : memref<80xi32, #tpu.memory_space<vmem>>, vector<16xi32>,
      %dma_start3A = arith.constant 0 : i32
      %dma_start3A_167 = tpu.memref_slice %arg3[%dma_start3A] : memref<2359296xf32, #tpu.memory_space<hbm>> -> memref<2359296xf32, #tpu.memory_space<hbm>>
      tpu.enqueue_indirect_dma source(%dma_start3A_167 : memref<2359296xf32, #tpu.memory_space<hbm>>) target(%arg7 : memref<80xf32, #tpu.memory_space<vmem>>) offsets(%arg6 : memref<80xi32, #tpu.memory_space<vmem>>) semaphore(%arg9 : memref<!tpu.dma_semaphore, #tpu.memory_space<semaphore_mem>>)
      %dma_wait3A = arith.constant 0 : i32
      %dma_wait3A_168 = tpu.memref_slice %arg3[%dma_wait3A] : memref<2359296xf32, #tpu.memory_space<hbm>> -> memref<2359296xf32, #tpu.memory_space<hbm>>
      tpu.wait_indirect_dma semaphore(%arg9 : memref<!tpu.dma_semaphore, #tpu.memory_space<semaphore_mem>>) src(%dma_wait3A_168 : memref<2359296xf32, #tpu.memory_space<hbm>>) dst(%arg7 : memref<80xf32, #tpu.memory_space<vmem>>)
      %get3A_169 = arith.constant 0 : index
      %get3A_170 = tpu.vector_load %arg7[%get3A_169] {strides = array<i32>} : memref<80xf32, #tpu.memory_space<vmem>>, vector<16xf32>,
      %get3A_171 = vector.shape_cast %get3A_170 : vector<16xf32> to vector<16xf32>
      %get3A_172 = arith.constant 16 : index
      %get3A_173 = tpu.vector_load %arg7[%get3A_172] {strides = array<i32>} : memref<80xf32, #tpu.memory_space<vmem>>, vector<16xf32>,
      %get3A_174 = vector.shape_cast %get3A_173 : vector<16xf32> to vector<16xf32>
      %get3A_175 = arith.constant 32 : index
      %get3A_176 = tpu.vector_load %arg7[%get3A_175] {strides = array<i32>} : memref<80xf32, #tpu.memory_space<vmem>>, vector<16xf32>,
      %get3A_177 = vector.shape_cast %get3A_176 : vector<16xf32> to vector<16xf32>
      %get3A_178 = arith.constant 48 : index
      %get3A_179 = tpu.vector_load %arg7[%get3A_178] {strides = array<i32>} : memref<80xf32, #tpu.memory_space<vmem>>, vector<16xf32>,
      %get3A_180 = vector.shape_cast %get3A_179 : vector<16xf32> to vector<16xf32>
      %get3A_181 = arith.constant 64 : index
      %get3A_182 = tpu.vector_load %arg7[%get3A_181] {strides = array<i32>} : memref<80xf32, #tpu.memory_space<vmem>>, vector<16xf32>,
      %get3A_183 = vector.shape_cast %get3A_182 : vector<16xf32> to vector<16xf32>
      %broadcast_in_dim3A_184 = arith.constant 0.000000e+00 : f32
      %broadcast_in_dim3A_185 = vector.broadcast %broadcast_in_dim3A_184 : f32 to vector<16xf32>
      %gt3A_186 = arith.constant 5.000000e-01 : f32
      %gt3A_187 = vector.broadcast %gt3A_186 : f32 to vector<16xf32>
      %gt3A_188 = arith.cmpf ogt, %div3A, %gt3A_187 : vector<16xf32>
      %exp3A = math.exp %get3A_171 : vector<16xf32>
      %add3A_189 = arith.constant 1.000000e+00 : f32
      %add3A_190 = vector.broadcast %add3A_189 : f32 to vector<16xf32>
      %add3A_191 = arith.addf %add3A_190, %exp3A : vector<16xf32>
      %bitcast_convert_type3A = tpu.bitcast %add3A_191 : vector<16xf32> -> vector<16xi32>
      %shift_right_arithmetic3A = arith.constant 23 : i32
      %shift_right_arithmetic3A_192 = vector.broadcast %shift_right_arithmetic3A : i32 to vector<16xi32>
      %shift_right_arithmetic3A_193 = arith.shrsi %bitcast_convert_type3A, %shift_right_arithmetic3A_192 : vector<16xi32>
      %and3A_194 = arith.constant 255 : i32
      %and3A_195 = vector.broadcast %and3A_194 : i32 to vector<16xi32>
      %and3A_196 = arith.andi %shift_right_arithmetic3A_193, %and3A_195 : vector<16xi32>
      %sub3A_197 = arith.constant 127 : i32
      %sub3A_198 = vector.broadcast %sub3A_197 : i32 to vector<16xi32>
      %sub3A_199 = arith.subi %and3A_196, %sub3A_198 : vector<16xi32>
      %and3A_200 = arith.constant 8388607 : i32
      %and3A_201 = vector.broadcast %and3A_200 : i32 to vector<16xi32>
      %and3A_202 = arith.andi %bitcast_convert_type3A, %and3A_201 : vector<16xi32>
      %or3A = arith.constant 1065353216 : i32
      %or3A_203 = vector.broadcast %or3A : i32 to vector<16xi32>
      %or3A_204 = arith.ori %and3A_202, %or3A_203 : vector<16xi32>
      %bitcast_convert_type3A_205 = tpu.bitcast %or3A_204 : vector<16xi32> -> vector<16xf32>
      %sub3A_206 = arith.constant 1.000000e+00 : f32
      %sub3A_207 = vector.broadcast %sub3A_206 : f32 to vector<16xf32>
      %sub3A_208 = arith.subf %bitcast_convert_type3A_205, %sub3A_207 : vector<16xf32>
      %add3A_209 = arith.constant 1.000000e+00 : f32
      %add3A_210 = vector.broadcast %add3A_209 : f32 to vector<16xf32>
      %add3A_211 = arith.addf %bitcast_convert_type3A_205, %add3A_210 : vector<16xf32>
      %div3A_212 = arith.divf %sub3A_208, %add3A_211 : vector<16xf32>
      %mul3A_213 = arith.mulf %div3A_212, %div3A_212 : vector<16xf32>
      %mul3A_214 = arith.constant 2.000000e+00 : f32
      %mul3A_215 = vector.broadcast %mul3A_214 : f32 to vector<16xf32>
      %mul3A_216 = arith.mulf %mul3A_215, %div3A_212 : vector<16xf32>
      %mul3A_217 = arith.constant 0.142857149 : f32
      %mul3A_218 = vector.broadcast %mul3A_217 : f32 to vector<16xf32>
      %mul3A_219 = arith.mulf %mul3A_213, %mul3A_218 : vector<16xf32>
      %add3A_220 = arith.constant 2.000000e-01 : f32
      %add3A_221 = vector.broadcast %add3A_220 : f32 to vector<16xf32>
      %add3A_222 = arith.addf %add3A_221, %mul3A_219 : vector<16xf32>
      %mul3A_223 = arith.mulf %mul3A_213, %add3A_222 : vector<16xf32>
      %add3A_224 = arith.constant 0.333333343 : f32
      %add3A_225 = vector.broadcast %add3A_224 : f32 to vector<16xf32>
      %add3A_226 = arith.addf %add3A_225, %mul3A_223 : vector<16xf32>
      %mul3A_227 = arith.mulf %mul3A_213, %add3A_226 : vector<16xf32>
      %add3A_228 = arith.constant 1.000000e+00 : f32
      %add3A_229 = vector.broadcast %add3A_228 : f32 to vector<16xf32>
      %add3A_230 = arith.addf %add3A_229, %mul3A_227 : vector<16xf32>
      %mul3A_231 = arith.mulf %mul3A_216, %add3A_230 : vector<16xf32>
      %convert_element_type3A_232 = arith.sitofp %sub3A_199 : vector<16xi32> to vector<16xf32>
      %mul3A_233 = arith.constant 0.693147182 : f32
      %mul3A_234 = vector.broadcast %mul3A_233 : f32 to vector<16xf32>
      %mul3A_235 = arith.mulf %mul3A_234, %convert_element_type3A_232 : vector<16xf32>
      %add3A_236 = arith.addf %mul3A_235, %mul3A_231 : vector<16xf32>
      %mul3A_237 = arith.constant 2.500000e+00 : f32
      %mul3A_238 = vector.broadcast %mul3A_237 : f32 to vector<16xf32>
      %mul3A_239 = arith.mulf %mul3A_238, %add3A_236 : vector<16xf32>
      %jit3A_240 = arith.constant 0.000000e+00 : f32
      %broadcast_in_dim3A_241 = vector.broadcast %jit3A_240 : f32 to vector<16xf32>
      %select_n3A_242 = arith.select %gt3A_188, %mul3A_239, %broadcast_in_dim3A_241 : vector<16xi1>, vector<16xf32>
      %sub3A_243 = arith.subf %broadcast_in_dim3A_185, %select_n3A_242 : vector<16xf32>
      %eq3A_244 = arith.constant 0 : i32
      %eq3A_245 = vector.broadcast %eq3A_244 : i32 to vector<16xi32>
      %eq3A_246 = arith.cmpi eq, %select_n3A_107, %eq3A_245 : vector<16xi32>
      %neg3A = arith.constant 0.000000e+00 : f32
      %neg3A_247 = vector.broadcast %neg3A : f32 to vector<16xf32>
      %neg3A_248 = arith.subf %neg3A_247, %get3A_171 : vector<16xf32>
      %exp3A_249 = math.exp %neg3A_248 : vector<16xf32>
      %add3A_250 = arith.constant 1.000000e+00 : f32
      %add3A_251 = vector.broadcast %add3A_250 : f32 to vector<16xf32>
      %add3A_252 = arith.addf %add3A_251, %exp3A_249 : vector<16xf32>
      %bitcast_convert_type3A_253 = tpu.bitcast %add3A_252 : vector<16xf32> -> vector<16xi32>
      %shift_right_arithmetic3A_254 = arith.constant 23 : i32
      %shift_right_arithmetic3A_255 = vector.broadcast %shift_right_arithmetic3A_254 : i32 to vector<16xi32>
      %shift_right_arithmetic3A_256 = arith.shrsi %bitcast_convert_type3A_253, %shift_right_arithmetic3A_255 : vector<16xi32>
      %and3A_257 = arith.constant 255 : i32
      %and3A_258 = vector.broadcast %and3A_257 : i32 to vector<16xi32>
      %and3A_259 = arith.andi %shift_right_arithmetic3A_256, %and3A_258 : vector<16xi32>
      %sub3A_260 = arith.constant 127 : i32
      %sub3A_261 = vector.broadcast %sub3A_260 : i32 to vector<16xi32>
      %sub3A_262 = arith.subi %and3A_259, %sub3A_261 : vector<16xi32>
      %and3A_263 = arith.constant 8388607 : i32
      %and3A_264 = vector.broadcast %and3A_263 : i32 to vector<16xi32>
      %and3A_265 = arith.andi %bitcast_convert_type3A_253, %and3A_264 : vector<16xi32>
      %or3A_266 = arith.constant 1065353216 : i32
      %or3A_267 = vector.broadcast %or3A_266 : i32 to vector<16xi32>
      %or3A_268 = arith.ori %and3A_265, %or3A_267 : vector<16xi32>
      %bitcast_convert_type3A_269 = tpu.bitcast %or3A_268 : vector<16xi32> -> vector<16xf32>
      %sub3A_270 = arith.constant 1.000000e+00 : f32
      %sub3A_271 = vector.broadcast %sub3A_270 : f32 to vector<16xf32>
      %sub3A_272 = arith.subf %bitcast_convert_type3A_269, %sub3A_271 : vector<16xf32>
      %add3A_273 = arith.constant 1.000000e+00 : f32
      %add3A_274 = vector.broadcast %add3A_273 : f32 to vector<16xf32>
      %add3A_275 = arith.addf %bitcast_convert_type3A_269, %add3A_274 : vector<16xf32>
      %div3A_276 = arith.divf %sub3A_272, %add3A_275 : vector<16xf32>
      %mul3A_277 = arith.mulf %div3A_276, %div3A_276 : vector<16xf32>
      %mul3A_278 = arith.constant 2.000000e+00 : f32
      %mul3A_279 = vector.broadcast %mul3A_278 : f32 to vector<16xf32>
      %mul3A_280 = arith.mulf %mul3A_279, %div3A_276 : vector<16xf32>
      %mul3A_281 = arith.constant 0.142857149 : f32
      %mul3A_282 = vector.broadcast %mul3A_281 : f32 to vector<16xf32>
      %mul3A_283 = arith.mulf %mul3A_277, %mul3A_282 : vector<16xf32>
      %add3A_284 = arith.constant 2.000000e-01 : f32
      %add3A_285 = vector.broadcast %add3A_284 : f32 to vector<16xf32>
      %add3A_286 = arith.addf %add3A_285, %mul3A_283 : vector<16xf32>
      %mul3A_287 = arith.mulf %mul3A_277, %add3A_286 : vector<16xf32>
      %add3A_288 = arith.constant 0.333333343 : f32
      %add3A_289 = vector.broadcast %add3A_288 : f32 to vector<16xf32>
      %add3A_290 = arith.addf %add3A_289, %mul3A_287 : vector<16xf32>
      %mul3A_291 = arith.mulf %mul3A_277, %add3A_290 : vector<16xf32>
      %add3A_292 = arith.constant 1.000000e+00 : f32
      %add3A_293 = vector.broadcast %add3A_292 : f32 to vector<16xf32>
      %add3A_294 = arith.addf %add3A_293, %mul3A_291 : vector<16xf32>
      %mul3A_295 = arith.mulf %mul3A_280, %add3A_294 : vector<16xf32>
      %convert_element_type3A_296 = arith.sitofp %sub3A_262 : vector<16xi32> to vector<16xf32>
      %mul3A_297 = arith.constant 0.693147182 : f32
      %mul3A_298 = vector.broadcast %mul3A_297 : f32 to vector<16xf32>
      %mul3A_299 = arith.mulf %mul3A_298, %convert_element_type3A_296 : vector<16xf32>
      %add3A_300 = arith.addf %mul3A_299, %mul3A_295 : vector<16xf32>
      %mul3A_301 = arith.constant 5.000000e+00 : f32
      %mul3A_302 = vector.broadcast %mul3A_301 : f32 to vector<16xf32>
      %mul3A_303 = arith.mulf %mul3A_302, %add3A_300 : vector<16xf32>
      %jit3A_304 = arith.constant 0.000000e+00 : f32
      %broadcast_in_dim3A_305 = vector.broadcast %jit3A_304 : f32 to vector<16xf32>
      %select_n3A_306 = arith.select %eq3A_246, %mul3A_303, %broadcast_in_dim3A_305 : vector<16xi1>, vector<16xf32>
      %add3A_307 = arith.addf %sub3A_243, %select_n3A_306 : vector<16xf32>
      %gt3A_308 = arith.constant 5.000000e-01 : f32
      %gt3A_309 = vector.broadcast %gt3A_308 : f32 to vector<16xf32>
      %gt3A_310 = arith.cmpf ogt, %div3A_78, %gt3A_309 : vector<16xf32>
      %exp3A_311 = math.exp %get3A_174 : vector<16xf32>
      %add3A_312 = arith.constant 1.000000e+00 : f32
      %add3A_313 = vector.broadcast %add3A_312 : f32 to vector<16xf32>
      %add3A_314 = arith.addf %add3A_313, %exp3A_311 : vector<16xf32>
      %bitcast_convert_type3A_315 = tpu.bitcast %add3A_314 : vector<16xf32> -> vector<16xi32>
      %shift_right_arithmetic3A_316 = arith.constant 23 : i32
      %shift_right_arithmetic3A_317 = vector.broadcast %shift_right_arithmetic3A_316 : i32 to vector<16xi32>
      %shift_right_arithmetic3A_318 = arith.shrsi %bitcast_convert_type3A_315, %shift_right_arithmetic3A_317 : vector<16xi32>
      %and3A_319 = arith.constant 255 : i32
      %and3A_320 = vector.broadcast %and3A_319 : i32 to vector<16xi32>
      %and3A_321 = arith.andi %shift_right_arithmetic3A_318, %and3A_320 : vector<16xi32>
      %sub3A_322 = arith.constant 127 : i32
      %sub3A_323 = vector.broadcast %sub3A_322 : i32 to vector<16xi32>
      %sub3A_324 = arith.subi %and3A_321, %sub3A_323 : vector<16xi32>
      %and3A_325 = arith.constant 8388607 : i32
      %and3A_326 = vector.broadcast %and3A_325 : i32 to vector<16xi32>
      %and3A_327 = arith.andi %bitcast_convert_type3A_315, %and3A_326 : vector<16xi32>
      %or3A_328 = arith.constant 1065353216 : i32
      %or3A_329 = vector.broadcast %or3A_328 : i32 to vector<16xi32>
      %or3A_330 = arith.ori %and3A_327, %or3A_329 : vector<16xi32>
      %bitcast_convert_type3A_331 = tpu.bitcast %or3A_330 : vector<16xi32> -> vector<16xf32>
      %sub3A_332 = arith.constant 1.000000e+00 : f32
      %sub3A_333 = vector.broadcast %sub3A_332 : f32 to vector<16xf32>
      %sub3A_334 = arith.subf %bitcast_convert_type3A_331, %sub3A_333 : vector<16xf32>
      %add3A_335 = arith.constant 1.000000e+00 : f32
      %add3A_336 = vector.broadcast %add3A_335 : f32 to vector<16xf32>
      %add3A_337 = arith.addf %bitcast_convert_type3A_331, %add3A_336 : vector<16xf32>
      %div3A_338 = arith.divf %sub3A_334, %add3A_337 : vector<16xf32>
      %mul3A_339 = arith.mulf %div3A_338, %div3A_338 : vector<16xf32>
      %mul3A_340 = arith.constant 2.000000e+00 : f32
      %mul3A_341 = vector.broadcast %mul3A_340 : f32 to vector<16xf32>
      %mul3A_342 = arith.mulf %mul3A_341, %div3A_338 : vector<16xf32>
      %mul3A_343 = arith.constant 0.142857149 : f32
      %mul3A_344 = vector.broadcast %mul3A_343 : f32 to vector<16xf32>
      %mul3A_345 = arith.mulf %mul3A_339, %mul3A_344 : vector<16xf32>
      %add3A_346 = arith.constant 2.000000e-01 : f32
      %add3A_347 = vector.broadcast %add3A_346 : f32 to vector<16xf32>
      %add3A_348 = arith.addf %add3A_347, %mul3A_345 : vector<16xf32>
      %mul3A_349 = arith.mulf %mul3A_339, %add3A_348 : vector<16xf32>
      %add3A_350 = arith.constant 0.333333343 : f32
      %add3A_351 = vector.broadcast %add3A_350 : f32 to vector<16xf32>
      %add3A_352 = arith.addf %add3A_351, %mul3A_349 : vector<16xf32>
      %mul3A_353 = arith.mulf %mul3A_339, %add3A_352 : vector<16xf32>
      %add3A_354 = arith.constant 1.000000e+00 : f32
      %add3A_355 = vector.broadcast %add3A_354 : f32 to vector<16xf32>
      %add3A_356 = arith.addf %add3A_355, %mul3A_353 : vector<16xf32>
      %mul3A_357 = arith.mulf %mul3A_342, %add3A_356 : vector<16xf32>
      %convert_element_type3A_358 = arith.sitofp %sub3A_324 : vector<16xi32> to vector<16xf32>
      %mul3A_359 = arith.constant 0.693147182 : f32
      %mul3A_360 = vector.broadcast %mul3A_359 : f32 to vector<16xf32>
      %mul3A_361 = arith.mulf %mul3A_360, %convert_element_type3A_358 : vector<16xf32>
      %add3A_362 = arith.addf %mul3A_361, %mul3A_357 : vector<16xf32>
      %mul3A_363 = arith.constant 2.500000e+00 : f32
      %mul3A_364 = vector.broadcast %mul3A_363 : f32 to vector<16xf32>
      %mul3A_365 = arith.mulf %mul3A_364, %add3A_362 : vector<16xf32>
      %jit3A_366 = arith.constant 0.000000e+00 : f32
      %broadcast_in_dim3A_367 = vector.broadcast %jit3A_366 : f32 to vector<16xf32>
      %select_n3A_368 = arith.select %gt3A_310, %mul3A_365, %broadcast_in_dim3A_367 : vector<16xi1>, vector<16xf32>
      %sub3A_369 = arith.subf %add3A_307, %select_n3A_368 : vector<16xf32>
      %eq3A_370 = arith.constant 1 : i32
      %eq3A_371 = vector.broadcast %eq3A_370 : i32 to vector<16xi32>
      %eq3A_372 = arith.cmpi eq, %select_n3A_107, %eq3A_371 : vector<16xi32>
      %neg3A_373 = arith.constant 0.000000e+00 : f32
      %neg3A_374 = vector.broadcast %neg3A_373 : f32 to vector<16xf32>
      %neg3A_375 = arith.subf %neg3A_374, %get3A_174 : vector<16xf32>
      %exp3A_376 = math.exp %neg3A_375 : vector<16xf32>
      %add3A_377 = arith.constant 1.000000e+00 : f32
      %add3A_378 = vector.broadcast %add3A_377 : f32 to vector<16xf32>
      %add3A_379 = arith.addf %add3A_378, %exp3A_376 : vector<16xf32>
      %bitcast_convert_type3A_380 = tpu.bitcast %add3A_379 : vector<16xf32> -> vector<16xi32>
      %shift_right_arithmetic3A_381 = arith.constant 23 : i32
      %shift_right_arithmetic3A_382 = vector.broadcast %shift_right_arithmetic3A_381 : i32 to vector<16xi32>
      %shift_right_arithmetic3A_383 = arith.shrsi %bitcast_convert_type3A_380, %shift_right_arithmetic3A_382 : vector<16xi32>
      %and3A_384 = arith.constant 255 : i32
      %and3A_385 = vector.broadcast %and3A_384 : i32 to vector<16xi32>
      %and3A_386 = arith.andi %shift_right_arithmetic3A_383, %and3A_385 : vector<16xi32>
      %sub3A_387 = arith.constant 127 : i32
      %sub3A_388 = vector.broadcast %sub3A_387 : i32 to vector<16xi32>
      %sub3A_389 = arith.subi %and3A_386, %sub3A_388 : vector<16xi32>
      %and3A_390 = arith.constant 8388607 : i32
      %and3A_391 = vector.broadcast %and3A_390 : i32 to vector<16xi32>
      %and3A_392 = arith.andi %bitcast_convert_type3A_380, %and3A_391 : vector<16xi32>
      %or3A_393 = arith.constant 1065353216 : i32
      %or3A_394 = vector.broadcast %or3A_393 : i32 to vector<16xi32>
      %or3A_395 = arith.ori %and3A_392, %or3A_394 : vector<16xi32>
      %bitcast_convert_type3A_396 = tpu.bitcast %or3A_395 : vector<16xi32> -> vector<16xf32>
      %sub3A_397 = arith.constant 1.000000e+00 : f32
      %sub3A_398 = vector.broadcast %sub3A_397 : f32 to vector<16xf32>
      %sub3A_399 = arith.subf %bitcast_convert_type3A_396, %sub3A_398 : vector<16xf32>
      %add3A_400 = arith.constant 1.000000e+00 : f32
      %add3A_401 = vector.broadcast %add3A_400 : f32 to vector<16xf32>
      %add3A_402 = arith.addf %bitcast_convert_type3A_396, %add3A_401 : vector<16xf32>
      %div3A_403 = arith.divf %sub3A_399, %add3A_402 : vector<16xf32>
      %mul3A_404 = arith.mulf %div3A_403, %div3A_403 : vector<16xf32>
      %mul3A_405 = arith.constant 2.000000e+00 : f32
      %mul3A_406 = vector.broadcast %mul3A_405 : f32 to vector<16xf32>
      %mul3A_407 = arith.mulf %mul3A_406, %div3A_403 : vector<16xf32>
      %mul3A_408 = arith.constant 0.142857149 : f32
      %mul3A_409 = vector.broadcast %mul3A_408 : f32 to vector<16xf32>
      %mul3A_410 = arith.mulf %mul3A_404, %mul3A_409 : vector<16xf32>
      %add3A_411 = arith.constant 2.000000e-01 : f32
      %add3A_412 = vector.broadcast %add3A_411 : f32 to vector<16xf32>
      %add3A_413 = arith.addf %add3A_412, %mul3A_410 : vector<16xf32>
      %mul3A_414 = arith.mulf %mul3A_404, %add3A_413 : vector<16xf32>
      %add3A_415 = arith.constant 0.333333343 : f32
      %add3A_416 = vector.broadcast %add3A_415 : f32 to vector<16xf32>
      %add3A_417 = arith.addf %add3A_416, %mul3A_414 : vector<16xf32>
      %mul3A_418 = arith.mulf %mul3A_404, %add3A_417 : vector<16xf32>
      %add3A_419 = arith.constant 1.000000e+00 : f32
      %add3A_420 = vector.broadcast %add3A_419 : f32 to vector<16xf32>
      %add3A_421 = arith.addf %add3A_420, %mul3A_418 : vector<16xf32>
      %mul3A_422 = arith.mulf %mul3A_407, %add3A_421 : vector<16xf32>
      %convert_element_type3A_423 = arith.sitofp %sub3A_389 : vector<16xi32> to vector<16xf32>
      %mul3A_424 = arith.constant 0.693147182 : f32
      %mul3A_425 = vector.broadcast %mul3A_424 : f32 to vector<16xf32>
      %mul3A_426 = arith.mulf %mul3A_425, %convert_element_type3A_423 : vector<16xf32>
      %add3A_427 = arith.addf %mul3A_426, %mul3A_422 : vector<16xf32>
      %mul3A_428 = arith.constant 5.000000e+00 : f32
      %mul3A_429 = vector.broadcast %mul3A_428 : f32 to vector<16xf32>
      %mul3A_430 = arith.mulf %mul3A_429, %add3A_427 : vector<16xf32>
      %jit3A_431 = arith.constant 0.000000e+00 : f32
      %broadcast_in_dim3A_432 = vector.broadcast %jit3A_431 : f32 to vector<16xf32>
      %select_n3A_433 = arith.select %eq3A_372, %mul3A_430, %broadcast_in_dim3A_432 : vector<16xi1>, vector<16xf32>
      %add3A_434 = arith.addf %sub3A_369, %select_n3A_433 : vector<16xf32>
      %gt3A_435 = arith.constant 5.000000e-01 : f32
      %gt3A_436 = vector.broadcast %gt3A_435 : f32 to vector<16xf32>
      %gt3A_437 = arith.cmpf ogt, %div3A_100, %gt3A_436 : vector<16xf32>
      %exp3A_438 = math.exp %get3A_177 : vector<16xf32>
      %add3A_439 = arith.constant 1.000000e+00 : f32
      %add3A_440 = vector.broadcast %add3A_439 : f32 to vector<16xf32>
      %add3A_441 = arith.addf %add3A_440, %exp3A_438 : vector<16xf32>
      %bitcast_convert_type3A_442 = tpu.bitcast %add3A_441 : vector<16xf32> -> vector<16xi32>
      %shift_right_arithmetic3A_443 = arith.constant 23 : i32
      %shift_right_arithmetic3A_444 = vector.broadcast %shift_right_arithmetic3A_443 : i32 to vector<16xi32>
      %shift_right_arithmetic3A_445 = arith.shrsi %bitcast_convert_type3A_442, %shift_right_arithmetic3A_444 : vector<16xi32>
      %and3A_446 = arith.constant 255 : i32
      %and3A_447 = vector.broadcast %and3A_446 : i32 to vector<16xi32>
      %and3A_448 = arith.andi %shift_right_arithmetic3A_445, %and3A_447 : vector<16xi32>
      %sub3A_449 = arith.constant 127 : i32
      %sub3A_450 = vector.broadcast %sub3A_449 : i32 to vector<16xi32>
      %sub3A_451 = arith.subi %and3A_448, %sub3A_450 : vector<16xi32>
      %and3A_452 = arith.constant 8388607 : i32
      %and3A_453 = vector.broadcast %and3A_452 : i32 to vector<16xi32>
      %and3A_454 = arith.andi %bitcast_convert_type3A_442, %and3A_453 : vector<16xi32>
      %or3A_455 = arith.constant 1065353216 : i32
      %or3A_456 = vector.broadcast %or3A_455 : i32 to vector<16xi32>
      %or3A_457 = arith.ori %and3A_454, %or3A_456 : vector<16xi32>
      %bitcast_convert_type3A_458 = tpu.bitcast %or3A_457 : vector<16xi32> -> vector<16xf32>
      %sub3A_459 = arith.constant 1.000000e+00 : f32
      %sub3A_460 = vector.broadcast %sub3A_459 : f32 to vector<16xf32>
      %sub3A_461 = arith.subf %bitcast_convert_type3A_458, %sub3A_460 : vector<16xf32>
      %add3A_462 = arith.constant 1.000000e+00 : f32
      %add3A_463 = vector.broadcast %add3A_462 : f32 to vector<16xf32>
      %add3A_464 = arith.addf %bitcast_convert_type3A_458, %add3A_463 : vector<16xf32>
      %div3A_465 = arith.divf %sub3A_461, %add3A_464 : vector<16xf32>
      %mul3A_466 = arith.mulf %div3A_465, %div3A_465 : vector<16xf32>
      %mul3A_467 = arith.constant 2.000000e+00 : f32
      %mul3A_468 = vector.broadcast %mul3A_467 : f32 to vector<16xf32>
      %mul3A_469 = arith.mulf %mul3A_468, %div3A_465 : vector<16xf32>
      %mul3A_470 = arith.constant 0.142857149 : f32
      %mul3A_471 = vector.broadcast %mul3A_470 : f32 to vector<16xf32>
      %mul3A_472 = arith.mulf %mul3A_466, %mul3A_471 : vector<16xf32>
      %add3A_473 = arith.constant 2.000000e-01 : f32
      %add3A_474 = vector.broadcast %add3A_473 : f32 to vector<16xf32>
      %add3A_475 = arith.addf %add3A_474, %mul3A_472 : vector<16xf32>
      %mul3A_476 = arith.mulf %mul3A_466, %add3A_475 : vector<16xf32>
      %add3A_477 = arith.constant 0.333333343 : f32
      %add3A_478 = vector.broadcast %add3A_477 : f32 to vector<16xf32>
      %add3A_479 = arith.addf %add3A_478, %mul3A_476 : vector<16xf32>
      %mul3A_480 = arith.mulf %mul3A_466, %add3A_479 : vector<16xf32>
      %add3A_481 = arith.constant 1.000000e+00 : f32
      %add3A_482 = vector.broadcast %add3A_481 : f32 to vector<16xf32>
      %add3A_483 = arith.addf %add3A_482, %mul3A_480 : vector<16xf32>
      %mul3A_484 = arith.mulf %mul3A_469, %add3A_483 : vector<16xf32>
      %convert_element_type3A_485 = arith.sitofp %sub3A_451 : vector<16xi32> to vector<16xf32>
      %mul3A_486 = arith.constant 0.693147182 : f32
      %mul3A_487 = vector.broadcast %mul3A_486 : f32 to vector<16xf32>
      %mul3A_488 = arith.mulf %mul3A_487, %convert_element_type3A_485 : vector<16xf32>
      %add3A_489 = arith.addf %mul3A_488, %mul3A_484 : vector<16xf32>
      %mul3A_490 = arith.constant 2.500000e+00 : f32
      %mul3A_491 = vector.broadcast %mul3A_490 : f32 to vector<16xf32>
      %mul3A_492 = arith.mulf %mul3A_491, %add3A_489 : vector<16xf32>
      %jit3A_493 = arith.constant 0.000000e+00 : f32
      %broadcast_in_dim3A_494 = vector.broadcast %jit3A_493 : f32 to vector<16xf32>
      %select_n3A_495 = arith.select %gt3A_437, %mul3A_492, %broadcast_in_dim3A_494 : vector<16xi1>, vector<16xf32>
      %sub3A_496 = arith.subf %add3A_434, %select_n3A_495 : vector<16xf32>
      %eq3A_497 = arith.constant 2 : i32
      %eq3A_498 = vector.broadcast %eq3A_497 : i32 to vector<16xi32>
      %eq3A_499 = arith.cmpi eq, %select_n3A_107, %eq3A_498 : vector<16xi32>
      %neg3A_500 = arith.constant 0.000000e+00 : f32
      %neg3A_501 = vector.broadcast %neg3A_500 : f32 to vector<16xf32>
      %neg3A_502 = arith.subf %neg3A_501, %get3A_177 : vector<16xf32>
      %exp3A_503 = math.exp %neg3A_502 : vector<16xf32>
      %add3A_504 = arith.constant 1.000000e+00 : f32
      %add3A_505 = vector.broadcast %add3A_504 : f32 to vector<16xf32>
      %add3A_506 = arith.addf %add3A_505, %exp3A_503 : vector<16xf32>
      %bitcast_convert_type3A_507 = tpu.bitcast %add3A_506 : vector<16xf32> -> vector<16xi32>
      %shift_right_arithmetic3A_508 = arith.constant 23 : i32
      %shift_right_arithmetic3A_509 = vector.broadcast %shift_right_arithmetic3A_508 : i32 to vector<16xi32>
      %shift_right_arithmetic3A_510 = arith.shrsi %bitcast_convert_type3A_507, %shift_right_arithmetic3A_509 : vector<16xi32>
      %and3A_511 = arith.constant 255 : i32
      %and3A_512 = vector.broadcast %and3A_511 : i32 to vector<16xi32>
      %and3A_513 = arith.andi %shift_right_arithmetic3A_510, %and3A_512 : vector<16xi32>
      %sub3A_514 = arith.constant 127 : i32
      %sub3A_515 = vector.broadcast %sub3A_514 : i32 to vector<16xi32>
      %sub3A_516 = arith.subi %and3A_513, %sub3A_515 : vector<16xi32>
      %and3A_517 = arith.constant 8388607 : i32
      %and3A_518 = vector.broadcast %and3A_517 : i32 to vector<16xi32>
      %and3A_519 = arith.andi %bitcast_convert_type3A_507, %and3A_518 : vector<16xi32>
      %or3A_520 = arith.constant 1065353216 : i32
      %or3A_521 = vector.broadcast %or3A_520 : i32 to vector<16xi32>
      %or3A_522 = arith.ori %and3A_519, %or3A_521 : vector<16xi32>
      %bitcast_convert_type3A_523 = tpu.bitcast %or3A_522 : vector<16xi32> -> vector<16xf32>
      %sub3A_524 = arith.constant 1.000000e+00 : f32
      %sub3A_525 = vector.broadcast %sub3A_524 : f32 to vector<16xf32>
      %sub3A_526 = arith.subf %bitcast_convert_type3A_523, %sub3A_525 : vector<16xf32>
      %add3A_527 = arith.constant 1.000000e+00 : f32
      %add3A_528 = vector.broadcast %add3A_527 : f32 to vector<16xf32>
      %add3A_529 = arith.addf %bitcast_convert_type3A_523, %add3A_528 : vector<16xf32>
      %div3A_530 = arith.divf %sub3A_526, %add3A_529 : vector<16xf32>
      %mul3A_531 = arith.mulf %div3A_530, %div3A_530 : vector<16xf32>
      %mul3A_532 = arith.constant 2.000000e+00 : f32
      %mul3A_533 = vector.broadcast %mul3A_532 : f32 to vector<16xf32>
      %mul3A_534 = arith.mulf %mul3A_533, %div3A_530 : vector<16xf32>
      %mul3A_535 = arith.constant 0.142857149 : f32
      %mul3A_536 = vector.broadcast %mul3A_535 : f32 to vector<16xf32>
      %mul3A_537 = arith.mulf %mul3A_531, %mul3A_536 : vector<16xf32>
      %add3A_538 = arith.constant 2.000000e-01 : f32
      %add3A_539 = vector.broadcast %add3A_538 : f32 to vector<16xf32>
      %add3A_540 = arith.addf %add3A_539, %mul3A_537 : vector<16xf32>
      %mul3A_541 = arith.mulf %mul3A_531, %add3A_540 : vector<16xf32>
      %add3A_542 = arith.constant 0.333333343 : f32
      %add3A_543 = vector.broadcast %add3A_542 : f32 to vector<16xf32>
      %add3A_544 = arith.addf %add3A_543, %mul3A_541 : vector<16xf32>
      %mul3A_545 = arith.mulf %mul3A_531, %add3A_544 : vector<16xf32>
      %add3A_546 = arith.constant 1.000000e+00 : f32
      %add3A_547 = vector.broadcast %add3A_546 : f32 to vector<16xf32>
      %add3A_548 = arith.addf %add3A_547, %mul3A_545 : vector<16xf32>
      %mul3A_549 = arith.mulf %mul3A_534, %add3A_548 : vector<16xf32>
      %convert_element_type3A_550 = arith.sitofp %sub3A_516 : vector<16xi32> to vector<16xf32>
      %mul3A_551 = arith.constant 0.693147182 : f32
      %mul3A_552 = vector.broadcast %mul3A_551 : f32 to vector<16xf32>
      %mul3A_553 = arith.mulf %mul3A_552, %convert_element_type3A_550 : vector<16xf32>
      %add3A_554 = arith.addf %mul3A_553, %mul3A_549 : vector<16xf32>
      %mul3A_555 = arith.constant 5.000000e+00 : f32
      %mul3A_556 = vector.broadcast %mul3A_555 : f32 to vector<16xf32>
      %mul3A_557 = arith.mulf %mul3A_556, %add3A_554 : vector<16xf32>
      %jit3A_558 = arith.constant 0.000000e+00 : f32
      %broadcast_in_dim3A_559 = vector.broadcast %jit3A_558 : f32 to vector<16xf32>
      %select_n3A_560 = arith.select %eq3A_499, %mul3A_557, %broadcast_in_dim3A_559 : vector<16xi1>, vector<16xf32>
      %add3A_561 = arith.addf %sub3A_496, %select_n3A_560 : vector<16xf32>
      %neg3A_562 = arith.constant 0.000000e+00 : f32
      %neg3A_563 = vector.broadcast %neg3A_562 : f32 to vector<16xf32>
      %neg3A_564 = arith.subf %neg3A_563, %get3A_180 : vector<16xf32>
      %exp3A_565 = math.exp %neg3A_564 : vector<16xf32>
      %add3A_566 = arith.constant 1.000000e+00 : f32
      %add3A_567 = vector.broadcast %add3A_566 : f32 to vector<16xf32>
      %add3A_568 = arith.addf %add3A_567, %exp3A_565 : vector<16xf32>
      %bitcast_convert_type3A_569 = tpu.bitcast %add3A_568 : vector<16xf32> -> vector<16xi32>
      %shift_right_arithmetic3A_570 = arith.constant 23 : i32
      %shift_right_arithmetic3A_571 = vector.broadcast %shift_right_arithmetic3A_570 : i32 to vector<16xi32>
      %shift_right_arithmetic3A_572 = arith.shrsi %bitcast_convert_type3A_569, %shift_right_arithmetic3A_571 : vector<16xi32>
      %and3A_573 = arith.constant 255 : i32
      %and3A_574 = vector.broadcast %and3A_573 : i32 to vector<16xi32>
      %and3A_575 = arith.andi %shift_right_arithmetic3A_572, %and3A_574 : vector<16xi32>
      %sub3A_576 = arith.constant 127 : i32
      %sub3A_577 = vector.broadcast %sub3A_576 : i32 to vector<16xi32>
      %sub3A_578 = arith.subi %and3A_575, %sub3A_577 : vector<16xi32>
      %and3A_579 = arith.constant 8388607 : i32
      %and3A_580 = vector.broadcast %and3A_579 : i32 to vector<16xi32>
      %and3A_581 = arith.andi %bitcast_convert_type3A_569, %and3A_580 : vector<16xi32>
      %or3A_582 = arith.constant 1065353216 : i32
      %or3A_583 = vector.broadcast %or3A_582 : i32 to vector<16xi32>
      %or3A_584 = arith.ori %and3A_581, %or3A_583 : vector<16xi32>
      %bitcast_convert_type3A_585 = tpu.bitcast %or3A_584 : vector<16xi32> -> vector<16xf32>
      %sub3A_586 = arith.constant 1.000000e+00 : f32
      %sub3A_587 = vector.broadcast %sub3A_586 : f32 to vector<16xf32>
      %sub3A_588 = arith.subf %bitcast_convert_type3A_585, %sub3A_587 : vector<16xf32>
      %add3A_589 = arith.constant 1.000000e+00 : f32
      %add3A_590 = vector.broadcast %add3A_589 : f32 to vector<16xf32>
      %add3A_591 = arith.addf %bitcast_convert_type3A_585, %add3A_590 : vector<16xf32>
      %div3A_592 = arith.divf %sub3A_588, %add3A_591 : vector<16xf32>
      %mul3A_593 = arith.mulf %div3A_592, %div3A_592 : vector<16xf32>
      %mul3A_594 = arith.constant 2.000000e+00 : f32
      %mul3A_595 = vector.broadcast %mul3A_594 : f32 to vector<16xf32>
      %mul3A_596 = arith.mulf %mul3A_595, %div3A_592 : vector<16xf32>
      %mul3A_597 = arith.constant 0.142857149 : f32
      %mul3A_598 = vector.broadcast %mul3A_597 : f32 to vector<16xf32>
      %mul3A_599 = arith.mulf %mul3A_593, %mul3A_598 : vector<16xf32>
      %add3A_600 = arith.constant 2.000000e-01 : f32
      %add3A_601 = vector.broadcast %add3A_600 : f32 to vector<16xf32>
      %add3A_602 = arith.addf %add3A_601, %mul3A_599 : vector<16xf32>
      %mul3A_603 = arith.mulf %mul3A_593, %add3A_602 : vector<16xf32>
      %add3A_604 = arith.constant 0.333333343 : f32
      %add3A_605 = vector.broadcast %add3A_604 : f32 to vector<16xf32>
      %add3A_606 = arith.addf %add3A_605, %mul3A_603 : vector<16xf32>
      %mul3A_607 = arith.mulf %mul3A_593, %add3A_606 : vector<16xf32>
      %add3A_608 = arith.constant 1.000000e+00 : f32
      %add3A_609 = vector.broadcast %add3A_608 : f32 to vector<16xf32>
      %add3A_610 = arith.addf %add3A_609, %mul3A_607 : vector<16xf32>
      %mul3A_611 = arith.mulf %mul3A_596, %add3A_610 : vector<16xf32>
      %convert_element_type3A_612 = arith.sitofp %sub3A_578 : vector<16xi32> to vector<16xf32>
      %mul3A_613 = arith.constant 0.693147182 : f32
      %mul3A_614 = vector.broadcast %mul3A_613 : f32 to vector<16xf32>
      %mul3A_615 = arith.mulf %mul3A_614, %convert_element_type3A_612 : vector<16xf32>
      %add3A_616 = arith.addf %mul3A_615, %mul3A_611 : vector<16xf32>
      %mul3A_617 = arith.mulf %sub3A, %add3A_616 : vector<16xf32>
      %sub3A_618 = arith.constant 1.000000e+00 : f32
      %sub3A_619 = vector.broadcast %sub3A_618 : f32 to vector<16xf32>
      %sub3A_620 = arith.subf %sub3A_619, %sub3A : vector<16xf32>
      %exp3A_621 = math.exp %get3A_180 : vector<16xf32>
      %add3A_622 = arith.constant 1.000000e+00 : f32
      %add3A_623 = vector.broadcast %add3A_622 : f32 to vector<16xf32>
      %add3A_624 = arith.addf %add3A_623, %exp3A_621 : vector<16xf32>
      %bitcast_convert_type3A_625 = tpu.bitcast %add3A_624 : vector<16xf32> -> vector<16xi32>
      %shift_right_arithmetic3A_626 = arith.constant 23 : i32
      %shift_right_arithmetic3A_627 = vector.broadcast %shift_right_arithmetic3A_626 : i32 to vector<16xi32>
      %shift_right_arithmetic3A_628 = arith.shrsi %bitcast_convert_type3A_625, %shift_right_arithmetic3A_627 : vector<16xi32>
      %and3A_629 = arith.constant 255 : i32
      %and3A_630 = vector.broadcast %and3A_629 : i32 to vector<16xi32>
      %and3A_631 = arith.andi %shift_right_arithmetic3A_628, %and3A_630 : vector<16xi32>
      %sub3A_632 = arith.constant 127 : i32
      %sub3A_633 = vector.broadcast %sub3A_632 : i32 to vector<16xi32>
      %sub3A_634 = arith.subi %and3A_631, %sub3A_633 : vector<16xi32>
      %and3A_635 = arith.constant 8388607 : i32
      %and3A_636 = vector.broadcast %and3A_635 : i32 to vector<16xi32>
      %and3A_637 = arith.andi %bitcast_convert_type3A_625, %and3A_636 : vector<16xi32>
      %or3A_638 = arith.constant 1065353216 : i32
      %or3A_639 = vector.broadcast %or3A_638 : i32 to vector<16xi32>
      %or3A_640 = arith.ori %and3A_637, %or3A_639 : vector<16xi32>
      %bitcast_convert_type3A_641 = tpu.bitcast %or3A_640 : vector<16xi32> -> vector<16xf32>
      %sub3A_642 = arith.constant 1.000000e+00 : f32
      %sub3A_643 = vector.broadcast %sub3A_642 : f32 to vector<16xf32>
      %sub3A_644 = arith.subf %bitcast_convert_type3A_641, %sub3A_643 : vector<16xf32>
      %add3A_645 = arith.constant 1.000000e+00 : f32
      %add3A_646 = vector.broadcast %add3A_645 : f32 to vector<16xf32>
      %add3A_647 = arith.addf %bitcast_convert_type3A_641, %add3A_646 : vector<16xf32>
      %div3A_648 = arith.divf %sub3A_644, %add3A_647 : vector<16xf32>
      %mul3A_649 = arith.mulf %div3A_648, %div3A_648 : vector<16xf32>
      %mul3A_650 = arith.constant 2.000000e+00 : f32
      %mul3A_651 = vector.broadcast %mul3A_650 : f32 to vector<16xf32>
      %mul3A_652 = arith.mulf %mul3A_651, %div3A_648 : vector<16xf32>
      %mul3A_653 = arith.constant 0.142857149 : f32
      %mul3A_654 = vector.broadcast %mul3A_653 : f32 to vector<16xf32>
      %mul3A_655 = arith.mulf %mul3A_649, %mul3A_654 : vector<16xf32>
      %add3A_656 = arith.constant 2.000000e-01 : f32
      %add3A_657 = vector.broadcast %add3A_656 : f32 to vector<16xf32>
      %add3A_658 = arith.addf %add3A_657, %mul3A_655 : vector<16xf32>
      %mul3A_659 = arith.mulf %mul3A_649, %add3A_658 : vector<16xf32>
      %add3A_660 = arith.constant 0.333333343 : f32
      %add3A_661 = vector.broadcast %add3A_660 : f32 to vector<16xf32>
      %add3A_662 = arith.addf %add3A_661, %mul3A_659 : vector<16xf32>
      %mul3A_663 = arith.mulf %mul3A_649, %add3A_662 : vector<16xf32>
      %add3A_664 = arith.constant 1.000000e+00 : f32
      %add3A_665 = vector.broadcast %add3A_664 : f32 to vector<16xf32>
      %add3A_666 = arith.addf %add3A_665, %mul3A_663 : vector<16xf32>
      %mul3A_667 = arith.mulf %mul3A_652, %add3A_666 : vector<16xf32>
      %convert_element_type3A_668 = arith.sitofp %sub3A_634 : vector<16xi32> to vector<16xf32>
      %mul3A_669 = arith.constant 0.693147182 : f32
      %mul3A_670 = vector.broadcast %mul3A_669 : f32 to vector<16xf32>
      %mul3A_671 = arith.mulf %mul3A_670, %convert_element_type3A_668 : vector<16xf32>
      %add3A_672 = arith.addf %mul3A_671, %mul3A_667 : vector<16xf32>
      %mul3A_673 = arith.mulf %sub3A_620, %add3A_672 : vector<16xf32>
      %add3A_674 = arith.addf %mul3A_617, %mul3A_673 : vector<16xf32>
      %mul3A_675 = arith.constant 2.500000e+00 : f32
      %mul3A_676 = vector.broadcast %mul3A_675 : f32 to vector<16xf32>
      %mul3A_677 = arith.mulf %mul3A_676, %add3A_674 : vector<16xf32>
      %add3A_678 = arith.addf %add3A_561, %mul3A_677 : vector<16xf32>
      %neg3A_679 = arith.constant 0.000000e+00 : f32
      %neg3A_680 = vector.broadcast %neg3A_679 : f32 to vector<16xf32>
      %neg3A_681 = arith.subf %neg3A_680, %get3A_183 : vector<16xf32>
      %exp3A_682 = math.exp %neg3A_681 : vector<16xf32>
      %add3A_683 = arith.constant 1.000000e+00 : f32
      %add3A_684 = vector.broadcast %add3A_683 : f32 to vector<16xf32>
      %add3A_685 = arith.addf %add3A_684, %exp3A_682 : vector<16xf32>
      %bitcast_convert_type3A_686 = tpu.bitcast %add3A_685 : vector<16xf32> -> vector<16xi32>
      %shift_right_arithmetic3A_687 = arith.constant 23 : i32
      %shift_right_arithmetic3A_688 = vector.broadcast %shift_right_arithmetic3A_687 : i32 to vector<16xi32>
      %shift_right_arithmetic3A_689 = arith.shrsi %bitcast_convert_type3A_686, %shift_right_arithmetic3A_688 : vector<16xi32>
      %and3A_690 = arith.constant 255 : i32
      %and3A_691 = vector.broadcast %and3A_690 : i32 to vector<16xi32>
      %and3A_692 = arith.andi %shift_right_arithmetic3A_689, %and3A_691 : vector<16xi32>
      %sub3A_693 = arith.constant 127 : i32
      %sub3A_694 = vector.broadcast %sub3A_693 : i32 to vector<16xi32>
      %sub3A_695 = arith.subi %and3A_692, %sub3A_694 : vector<16xi32>
      %and3A_696 = arith.constant 8388607 : i32
      %and3A_697 = vector.broadcast %and3A_696 : i32 to vector<16xi32>
      %and3A_698 = arith.andi %bitcast_convert_type3A_686, %and3A_697 : vector<16xi32>
      %or3A_699 = arith.constant 1065353216 : i32
      %or3A_700 = vector.broadcast %or3A_699 : i32 to vector<16xi32>
      %or3A_701 = arith.ori %and3A_698, %or3A_700 : vector<16xi32>
      %bitcast_convert_type3A_702 = tpu.bitcast %or3A_701 : vector<16xi32> -> vector<16xf32>
      %sub3A_703 = arith.constant 1.000000e+00 : f32
      %sub3A_704 = vector.broadcast %sub3A_703 : f32 to vector<16xf32>
      %sub3A_705 = arith.subf %bitcast_convert_type3A_702, %sub3A_704 : vector<16xf32>
      %add3A_706 = arith.constant 1.000000e+00 : f32
      %add3A_707 = vector.broadcast %add3A_706 : f32 to vector<16xf32>
      %add3A_708 = arith.addf %bitcast_convert_type3A_702, %add3A_707 : vector<16xf32>
      %div3A_709 = arith.divf %sub3A_705, %add3A_708 : vector<16xf32>
      %mul3A_710 = arith.mulf %div3A_709, %div3A_709 : vector<16xf32>
      %mul3A_711 = arith.constant 2.000000e+00 : f32
      %mul3A_712 = vector.broadcast %mul3A_711 : f32 to vector<16xf32>
      %mul3A_713 = arith.mulf %mul3A_712, %div3A_709 : vector<16xf32>
      %mul3A_714 = arith.constant 0.142857149 : f32
      %mul3A_715 = vector.broadcast %mul3A_714 : f32 to vector<16xf32>
      %mul3A_716 = arith.mulf %mul3A_710, %mul3A_715 : vector<16xf32>
      %add3A_717 = arith.constant 2.000000e-01 : f32
      %add3A_718 = vector.broadcast %add3A_717 : f32 to vector<16xf32>
      %add3A_719 = arith.addf %add3A_718, %mul3A_716 : vector<16xf32>
      %mul3A_720 = arith.mulf %mul3A_710, %add3A_719 : vector<16xf32>
      %add3A_721 = arith.constant 0.333333343 : f32
      %add3A_722 = vector.broadcast %add3A_721 : f32 to vector<16xf32>
      %add3A_723 = arith.addf %add3A_722, %mul3A_720 : vector<16xf32>
      %mul3A_724 = arith.mulf %mul3A_710, %add3A_723 : vector<16xf32>
      %add3A_725 = arith.constant 1.000000e+00 : f32
      %add3A_726 = vector.broadcast %add3A_725 : f32 to vector<16xf32>
      %add3A_727 = arith.addf %add3A_726, %mul3A_724 : vector<16xf32>
      %mul3A_728 = arith.mulf %mul3A_713, %add3A_727 : vector<16xf32>
      %convert_element_type3A_729 = arith.sitofp %sub3A_695 : vector<16xi32> to vector<16xf32>
      %mul3A_730 = arith.constant 0.693147182 : f32
      %mul3A_731 = vector.broadcast %mul3A_730 : f32 to vector<16xf32>
      %mul3A_732 = arith.mulf %mul3A_731, %convert_element_type3A_729 : vector<16xf32>
      %add3A_733 = arith.addf %mul3A_732, %mul3A_728 : vector<16xf32>
      %mul3A_734 = arith.mulf %sub3A_38, %add3A_733 : vector<16xf32>
      %sub3A_735 = arith.constant 1.000000e+00 : f32
      %sub3A_736 = vector.broadcast %sub3A_735 : f32 to vector<16xf32>
      %sub3A_737 = arith.subf %sub3A_736, %sub3A_38 : vector<16xf32>
      %exp3A_738 = math.exp %get3A_183 : vector<16xf32>
      %add3A_739 = arith.constant 1.000000e+00 : f32
      %add3A_740 = vector.broadcast %add3A_739 : f32 to vector<16xf32>
      %add3A_741 = arith.addf %add3A_740, %exp3A_738 : vector<16xf32>
      %bitcast_convert_type3A_742 = tpu.bitcast %add3A_741 : vector<16xf32> -> vector<16xi32>
      %shift_right_arithmetic3A_743 = arith.constant 23 : i32
      %shift_right_arithmetic3A_744 = vector.broadcast %shift_right_arithmetic3A_743 : i32 to vector<16xi32>
      %shift_right_arithmetic3A_745 = arith.shrsi %bitcast_convert_type3A_742, %shift_right_arithmetic3A_744 : vector<16xi32>
      %and3A_746 = arith.constant 255 : i32
      %and3A_747 = vector.broadcast %and3A_746 : i32 to vector<16xi32>
      %and3A_748 = arith.andi %shift_right_arithmetic3A_745, %and3A_747 : vector<16xi32>
      %sub3A_749 = arith.constant 127 : i32
      %sub3A_750 = vector.broadcast %sub3A_749 : i32 to vector<16xi32>
      %sub3A_751 = arith.subi %and3A_748, %sub3A_750 : vector<16xi32>
      %and3A_752 = arith.constant 8388607 : i32
      %and3A_753 = vector.broadcast %and3A_752 : i32 to vector<16xi32>
      %and3A_754 = arith.andi %bitcast_convert_type3A_742, %and3A_753 : vector<16xi32>
      %or3A_755 = arith.constant 1065353216 : i32
      %or3A_756 = vector.broadcast %or3A_755 : i32 to vector<16xi32>
      %or3A_757 = arith.ori %and3A_754, %or3A_756 : vector<16xi32>
      %bitcast_convert_type3A_758 = tpu.bitcast %or3A_757 : vector<16xi32> -> vector<16xf32>
      %sub3A_759 = arith.constant 1.000000e+00 : f32
      %sub3A_760 = vector.broadcast %sub3A_759 : f32 to vector<16xf32>
      %sub3A_761 = arith.subf %bitcast_convert_type3A_758, %sub3A_760 : vector<16xf32>
      %add3A_762 = arith.constant 1.000000e+00 : f32
      %add3A_763 = vector.broadcast %add3A_762 : f32 to vector<16xf32>
      %add3A_764 = arith.addf %bitcast_convert_type3A_758, %add3A_763 : vector<16xf32>
      %div3A_765 = arith.divf %sub3A_761, %add3A_764 : vector<16xf32>
      %mul3A_766 = arith.mulf %div3A_765, %div3A_765 : vector<16xf32>
      %mul3A_767 = arith.constant 2.000000e+00 : f32
      %mul3A_768 = vector.broadcast %mul3A_767 : f32 to vector<16xf32>
      %mul3A_769 = arith.mulf %mul3A_768, %div3A_765 : vector<16xf32>
      %mul3A_770 = arith.constant 0.142857149 : f32
      %mul3A_771 = vector.broadcast %mul3A_770 : f32 to vector<16xf32>
      %mul3A_772 = arith.mulf %mul3A_766, %mul3A_771 : vector<16xf32>
      %add3A_773 = arith.constant 2.000000e-01 : f32
      %add3A_774 = vector.broadcast %add3A_773 : f32 to vector<16xf32>
      %add3A_775 = arith.addf %add3A_774, %mul3A_772 : vector<16xf32>
      %mul3A_776 = arith.mulf %mul3A_766, %add3A_775 : vector<16xf32>
      %add3A_777 = arith.constant 0.333333343 : f32
      %add3A_778 = vector.broadcast %add3A_777 : f32 to vector<16xf32>
      %add3A_779 = arith.addf %add3A_778, %mul3A_776 : vector<16xf32>
      %mul3A_780 = arith.mulf %mul3A_766, %add3A_779 : vector<16xf32>
      %add3A_781 = arith.constant 1.000000e+00 : f32
      %add3A_782 = vector.broadcast %add3A_781 : f32 to vector<16xf32>
      %add3A_783 = arith.addf %add3A_782, %mul3A_780 : vector<16xf32>
      %mul3A_784 = arith.mulf %mul3A_769, %add3A_783 : vector<16xf32>
      %convert_element_type3A_785 = arith.sitofp %sub3A_751 : vector<16xi32> to vector<16xf32>
      %mul3A_786 = arith.constant 0.693147182 : f32
      %mul3A_787 = vector.broadcast %mul3A_786 : f32 to vector<16xf32>
      %mul3A_788 = arith.mulf %mul3A_787, %convert_element_type3A_785 : vector<16xf32>
      %add3A_789 = arith.addf %mul3A_788, %mul3A_784 : vector<16xf32>
      %mul3A_790 = arith.mulf %sub3A_737, %add3A_789 : vector<16xf32>
      %add3A_791 = arith.addf %mul3A_734, %mul3A_790 : vector<16xf32>
      %mul3A_792 = arith.constant 2.500000e+00 : f32
      %mul3A_793 = vector.broadcast %mul3A_792 : f32 to vector<16xf32>
      %mul3A_794 = arith.mulf %mul3A_793, %add3A_791 : vector<16xf32>
      %add3A_795 = arith.addf %add3A_678, %mul3A_794 : vector<16xf32>
      %mul3A_796 = arith.constant 1.27156579E-6 : f32
      %mul3A_797 = vector.broadcast %mul3A_796 : f32 to vector<16xf32>
      %mul3A_798 = arith.mulf %add3A_795, %mul3A_797 : vector<16xf32>
      %swap3A_799 = arith.constant 0 : index
      %swap3A_800 = tpu.vector_load %arg8[%swap3A_799] {strides = array<i32>} : memref<16xf32, #tpu.memory_space<vmem>>, vector<16xf32>,
      %swap3A_801 = vector.shape_cast %swap3A_800 : vector<16xf32> to vector<16xf32>
      %swap3A_802 = vector.shape_cast %mul3A_798 : vector<16xf32> to vector<16xf32>
      tpu.vector_store %arg8[%swap3A_799], %swap3A_802 {strides = array<i32>} : memref<16xf32, #tpu.memory_space<vmem>>, vector<16xf32>,
      "tpu.region"() ({
        %run_scoped3A = tpu.sem_alloc : memref<!tpu.dma_semaphore, #tpu.memory_space<semaphore_mem>>
        tpu.enqueue_dma source(%arg8 : memref<16xf32, #tpu.memory_space<vmem>>) target(%arg4 : memref<16xf32, #tpu.memory_space<hbm>>) target_semaphore(%run_scoped3A : memref<!tpu.dma_semaphore, #tpu.memory_space<semaphore_mem>>)
        tpu.wait_dma2 semaphore(%run_scoped3A : memref<!tpu.dma_semaphore, #tpu.memory_space<semaphore_mem>>) src(%arg8 : memref<16xf32, #tpu.memory_space<vmem>>) dst(%arg4 : memref<16xf32, #tpu.memory_space<hbm>>)
        tpu.yield
      }) : () -> ()
    } else {
    }
    return
  }
}

module attributes {stable_mosaic.version = 14 : i64} {
  func.func @_tc_body(%arg0: i32, %arg1: memref<16x9x128x128xf32, #tpu.memory_space<any>>, %arg2: memref<1x1xf32, #tpu.memory_space<smem>>, %arg3: memref<16x3x128x128xf32, #tpu.memory_space<vmem>>, %arg4: memref<24x!tpu.dma_semaphore, #tpu.memory_space<semaphore_mem>>) attributes {dimension_semantics = [#tpu.dimension_semantics<arbitrary>], iteration_bounds = array<i64: 1>, scalar_prefetch = 0 : i64, scratch_operands = 2 : i64, tpu.core_type = #tpu.core_type<tc>, window_params = [{}, {transform_indices = @transform_1, window_bounds = array<i64: 1, 1>}]} {
    %dma_start3A = arith.constant 2 : i32
    %dma_start3A_0 = arith.constant 0 : i32
    %dma_start3A_1 = arith.constant 0 : i32
    %dma_start3A_2 = tpu.memref_slice %arg4[%dma_start3A_1] : memref<24x!tpu.dma_semaphore, #tpu.memory_space<semaphore_mem>> -> memref<1x!tpu.dma_semaphore, #tpu.memory_space<semaphore_mem>>
    %dma_start3A_3 = tpu.memref_squeeze %dma_start3A_2 : memref<1x!tpu.dma_semaphore, #tpu.memory_space<semaphore_mem>> -> memref<!tpu.dma_semaphore, #tpu.memory_space<semaphore_mem>>
    %dma_start3A_4 = arith.constant 0 : i32
    %dma_start3A_5 = arith.constant 0 : i32
    %dma_start3A_6 = arith.constant 0 : i32
    %dma_start3A_7 = tpu.memref_slice %arg3[%dma_start3A_4, %dma_start3A_0, %dma_start3A_5, %dma_start3A_6] : memref<16x3x128x128xf32, #tpu.memory_space<vmem>> -> memref<2x1x128x128xf32, #tpu.memory_space<vmem>>
    %dma_start3A_8 = tpu.memref_squeeze %dma_start3A_7 : memref<2x1x128x128xf32, #tpu.memory_space<vmem>> -> memref<2x128x128xf32, #tpu.memory_space<vmem>>
    %dma_start3A_9 = arith.constant 0 : i32
    %dma_start3A_10 = arith.constant 0 : i32
    %dma_start3A_11 = arith.constant 0 : i32
    %dma_start3A_12 = tpu.memref_slice %arg1[%dma_start3A_9, %dma_start3A, %dma_start3A_10, %dma_start3A_11] : memref<16x9x128x128xf32, #tpu.memory_space<any>> -> memref<2x1x128x128xf32, #tpu.memory_space<any>>
    %dma_start3A_13 = tpu.memref_squeeze %dma_start3A_12 : memref<2x1x128x128xf32, #tpu.memory_space<any>> -> memref<2x128x128xf32, #tpu.memory_space<any>>
    tpu.enqueue_dma source(%dma_start3A_13 : memref<2x128x128xf32, #tpu.memory_space<any>>) target(%dma_start3A_8 : memref<2x128x128xf32, #tpu.memory_space<vmem>>) target_semaphore(%dma_start3A_3 : memref<!tpu.dma_semaphore, #tpu.memory_space<semaphore_mem>>)
    %dma_start3A_14 = arith.constant 5 : i32
    %dma_start3A_15 = arith.constant 1 : i32
    %dma_start3A_16 = arith.constant 1 : i32
    %dma_start3A_17 = tpu.memref_slice %arg4[%dma_start3A_16] : memref<24x!tpu.dma_semaphore, #tpu.memory_space<semaphore_mem>> -> memref<1x!tpu.dma_semaphore, #tpu.memory_space<semaphore_mem>>
    %dma_start3A_18 = tpu.memref_squeeze %dma_start3A_17 : memref<1x!tpu.dma_semaphore, #tpu.memory_space<semaphore_mem>> -> memref<!tpu.dma_semaphore, #tpu.memory_space<semaphore_mem>>
    %dma_start3A_19 = arith.constant 0 : i32
    %dma_start3A_20 = arith.constant 0 : i32
    %dma_start3A_21 = arith.constant 0 : i32
    %dma_start3A_22 = tpu.memref_slice %arg3[%dma_start3A_19, %dma_start3A_15, %dma_start3A_20, %dma_start3A_21] : memref<16x3x128x128xf32, #tpu.memory_space<vmem>> -> memref<2x1x128x128xf32, #tpu.memory_space<vmem>>
    %dma_start3A_23 = tpu.memref_squeeze %dma_start3A_22 : memref<2x1x128x128xf32, #tpu.memory_space<vmem>> -> memref<2x128x128xf32, #tpu.memory_space<vmem>>
    %dma_start3A_24 = arith.constant 0 : i32
    %dma_start3A_25 = arith.constant 0 : i32
    %dma_start3A_26 = arith.constant 0 : i32
    %dma_start3A_27 = tpu.memref_slice %arg1[%dma_start3A_24, %dma_start3A_14, %dma_start3A_25, %dma_start3A_26] : memref<16x9x128x128xf32, #tpu.memory_space<any>> -> memref<2x1x128x128xf32, #tpu.memory_space<any>>
    %dma_start3A_28 = tpu.memref_squeeze %dma_start3A_27 : memref<2x1x128x128xf32, #tpu.memory_space<any>> -> memref<2x128x128xf32, #tpu.memory_space<any>>
    tpu.enqueue_dma source(%dma_start3A_28 : memref<2x128x128xf32, #tpu.memory_space<any>>) target(%dma_start3A_23 : memref<2x128x128xf32, #tpu.memory_space<vmem>>) target_semaphore(%dma_start3A_18 : memref<!tpu.dma_semaphore, #tpu.memory_space<semaphore_mem>>)
    %dma_start3A_29 = arith.constant 8 : i32
    %dma_start3A_30 = arith.constant 2 : i32
    %dma_start3A_31 = arith.constant 2 : i32
    %dma_start3A_32 = tpu.memref_slice %arg4[%dma_start3A_31] : memref<24x!tpu.dma_semaphore, #tpu.memory_space<semaphore_mem>> -> memref<1x!tpu.dma_semaphore, #tpu.memory_space<semaphore_mem>>
    %dma_start3A_33 = tpu.memref_squeeze %dma_start3A_32 : memref<1x!tpu.dma_semaphore, #tpu.memory_space<semaphore_mem>> -> memref<!tpu.dma_semaphore, #tpu.memory_space<semaphore_mem>>
    %dma_start3A_34 = arith.constant 0 : i32
    %dma_start3A_35 = arith.constant 0 : i32
    %dma_start3A_36 = arith.constant 0 : i32
    %dma_start3A_37 = tpu.memref_slice %arg3[%dma_start3A_34, %dma_start3A_30, %dma_start3A_35, %dma_start3A_36] : memref<16x3x128x128xf32, #tpu.memory_space<vmem>> -> memref<2x1x128x128xf32, #tpu.memory_space<vmem>>
    %dma_start3A_38 = tpu.memref_squeeze %dma_start3A_37 : memref<2x1x128x128xf32, #tpu.memory_space<vmem>> -> memref<2x128x128xf32, #tpu.memory_space<vmem>>
    %dma_start3A_39 = arith.constant 0 : i32
    %dma_start3A_40 = arith.constant 0 : i32
    %dma_start3A_41 = arith.constant 0 : i32
    %dma_start3A_42 = tpu.memref_slice %arg1[%dma_start3A_39, %dma_start3A_29, %dma_start3A_40, %dma_start3A_41] : memref<16x9x128x128xf32, #tpu.memory_space<any>> -> memref<2x1x128x128xf32, #tpu.memory_space<any>>
    %dma_start3A_43 = tpu.memref_squeeze %dma_start3A_42 : memref<2x1x128x128xf32, #tpu.memory_space<any>> -> memref<2x128x128xf32, #tpu.memory_space<any>>
    tpu.enqueue_dma source(%dma_start3A_43 : memref<2x128x128xf32, #tpu.memory_space<any>>) target(%dma_start3A_38 : memref<2x128x128xf32, #tpu.memory_space<vmem>>) target_semaphore(%dma_start3A_33 : memref<!tpu.dma_semaphore, #tpu.memory_space<semaphore_mem>>)
    %dma_start3A_44 = arith.constant 2 : i32
    %dma_start3A_45 = arith.constant 0 : i32
    %dma_start3A_46 = arith.constant 3 : i32
    %dma_start3A_47 = tpu.memref_slice %arg4[%dma_start3A_46] : memref<24x!tpu.dma_semaphore, #tpu.memory_space<semaphore_mem>> -> memref<1x!tpu.dma_semaphore, #tpu.memory_space<semaphore_mem>>
    %dma_start3A_48 = tpu.memref_squeeze %dma_start3A_47 : memref<1x!tpu.dma_semaphore, #tpu.memory_space<semaphore_mem>> -> memref<!tpu.dma_semaphore, #tpu.memory_space<semaphore_mem>>
    %dma_start3A_49 = arith.constant 2 : i32
    %dma_start3A_50 = arith.constant 0 : i32
    %dma_start3A_51 = arith.constant 0 : i32
    %dma_start3A_52 = tpu.memref_slice %arg3[%dma_start3A_49, %dma_start3A_45, %dma_start3A_50, %dma_start3A_51] : memref<16x3x128x128xf32, #tpu.memory_space<vmem>> -> memref<2x1x128x128xf32, #tpu.memory_space<vmem>>
    %dma_start3A_53 = tpu.memref_squeeze %dma_start3A_52 : memref<2x1x128x128xf32, #tpu.memory_space<vmem>> -> memref<2x128x128xf32, #tpu.memory_space<vmem>>
    %dma_start3A_54 = arith.constant 2 : i32
    %dma_start3A_55 = arith.constant 0 : i32
    %dma_start3A_56 = arith.constant 0 : i32
    %dma_start3A_57 = tpu.memref_slice %arg1[%dma_start3A_54, %dma_start3A_44, %dma_start3A_55, %dma_start3A_56] : memref<16x9x128x128xf32, #tpu.memory_space<any>> -> memref<2x1x128x128xf32, #tpu.memory_space<any>>
    %dma_start3A_58 = tpu.memref_squeeze %dma_start3A_57 : memref<2x1x128x128xf32, #tpu.memory_space<any>> -> memref<2x128x128xf32, #tpu.memory_space<any>>
    tpu.enqueue_dma source(%dma_start3A_58 : memref<2x128x128xf32, #tpu.memory_space<any>>) target(%dma_start3A_53 : memref<2x128x128xf32, #tpu.memory_space<vmem>>) target_semaphore(%dma_start3A_48 : memref<!tpu.dma_semaphore, #tpu.memory_space<semaphore_mem>>)
    %dma_start3A_59 = arith.constant 5 : i32
    %dma_start3A_60 = arith.constant 1 : i32
    %dma_start3A_61 = arith.constant 4 : i32
    %dma_start3A_62 = tpu.memref_slice %arg4[%dma_start3A_61] : memref<24x!tpu.dma_semaphore, #tpu.memory_space<semaphore_mem>> -> memref<1x!tpu.dma_semaphore, #tpu.memory_space<semaphore_mem>>
    %dma_start3A_63 = tpu.memref_squeeze %dma_start3A_62 : memref<1x!tpu.dma_semaphore, #tpu.memory_space<semaphore_mem>> -> memref<!tpu.dma_semaphore, #tpu.memory_space<semaphore_mem>>
    %dma_start3A_64 = arith.constant 2 : i32
    %dma_start3A_65 = arith.constant 0 : i32
    %dma_start3A_66 = arith.constant 0 : i32
    %dma_start3A_67 = tpu.memref_slice %arg3[%dma_start3A_64, %dma_start3A_60, %dma_start3A_65, %dma_start3A_66] : memref<16x3x128x128xf32, #tpu.memory_space<vmem>> -> memref<2x1x128x128xf32, #tpu.memory_space<vmem>>
    %dma_start3A_68 = tpu.memref_squeeze %dma_start3A_67 : memref<2x1x128x128xf32, #tpu.memory_space<vmem>> -> memref<2x128x128xf32, #tpu.memory_space<vmem>>
    %dma_start3A_69 = arith.constant 2 : i32
    %dma_start3A_70 = arith.constant 0 : i32
    %dma_start3A_71 = arith.constant 0 : i32
    %dma_start3A_72 = tpu.memref_slice %arg1[%dma_start3A_69, %dma_start3A_59, %dma_start3A_70, %dma_start3A_71] : memref<16x9x128x128xf32, #tpu.memory_space<any>> -> memref<2x1x128x128xf32, #tpu.memory_space<any>>
    %dma_start3A_73 = tpu.memref_squeeze %dma_start3A_72 : memref<2x1x128x128xf32, #tpu.memory_space<any>> -> memref<2x128x128xf32, #tpu.memory_space<any>>
    tpu.enqueue_dma source(%dma_start3A_73 : memref<2x128x128xf32, #tpu.memory_space<any>>) target(%dma_start3A_68 : memref<2x128x128xf32, #tpu.memory_space<vmem>>) target_semaphore(%dma_start3A_63 : memref<!tpu.dma_semaphore, #tpu.memory_space<semaphore_mem>>)
    %dma_start3A_74 = arith.constant 8 : i32
    %dma_start3A_75 = arith.constant 2 : i32
    %dma_start3A_76 = arith.constant 5 : i32
    %dma_start3A_77 = tpu.memref_slice %arg4[%dma_start3A_76] : memref<24x!tpu.dma_semaphore, #tpu.memory_space<semaphore_mem>> -> memref<1x!tpu.dma_semaphore, #tpu.memory_space<semaphore_mem>>
    %dma_start3A_78 = tpu.memref_squeeze %dma_start3A_77 : memref<1x!tpu.dma_semaphore, #tpu.memory_space<semaphore_mem>> -> memref<!tpu.dma_semaphore, #tpu.memory_space<semaphore_mem>>
    %dma_start3A_79 = arith.constant 2 : i32
    %dma_start3A_80 = arith.constant 0 : i32
    %dma_start3A_81 = arith.constant 0 : i32
    %dma_start3A_82 = tpu.memref_slice %arg3[%dma_start3A_79, %dma_start3A_75, %dma_start3A_80, %dma_start3A_81] : memref<16x3x128x128xf32, #tpu.memory_space<vmem>> -> memref<2x1x128x128xf32, #tpu.memory_space<vmem>>
    %dma_start3A_83 = tpu.memref_squeeze %dma_start3A_82 : memref<2x1x128x128xf32, #tpu.memory_space<vmem>> -> memref<2x128x128xf32, #tpu.memory_space<vmem>>
    %dma_start3A_84 = arith.constant 2 : i32
    %dma_start3A_85 = arith.constant 0 : i32
    %dma_start3A_86 = arith.constant 0 : i32
    %dma_start3A_87 = tpu.memref_slice %arg1[%dma_start3A_84, %dma_start3A_74, %dma_start3A_85, %dma_start3A_86] : memref<16x9x128x128xf32, #tpu.memory_space<any>> -> memref<2x1x128x128xf32, #tpu.memory_space<any>>
    %dma_start3A_88 = tpu.memref_squeeze %dma_start3A_87 : memref<2x1x128x128xf32, #tpu.memory_space<any>> -> memref<2x128x128xf32, #tpu.memory_space<any>>
    tpu.enqueue_dma source(%dma_start3A_88 : memref<2x128x128xf32, #tpu.memory_space<any>>) target(%dma_start3A_83 : memref<2x128x128xf32, #tpu.memory_space<vmem>>) target_semaphore(%dma_start3A_78 : memref<!tpu.dma_semaphore, #tpu.memory_space<semaphore_mem>>)
    %dma_start3A_89 = arith.constant 2 : i32
    %dma_start3A_90 = arith.constant 0 : i32
    %dma_start3A_91 = arith.constant 6 : i32
    %dma_start3A_92 = tpu.memref_slice %arg4[%dma_start3A_91] : memref<24x!tpu.dma_semaphore, #tpu.memory_space<semaphore_mem>> -> memref<1x!tpu.dma_semaphore, #tpu.memory_space<semaphore_mem>>
    %dma_start3A_93 = tpu.memref_squeeze %dma_start3A_92 : memref<1x!tpu.dma_semaphore, #tpu.memory_space<semaphore_mem>> -> memref<!tpu.dma_semaphore, #tpu.memory_space<semaphore_mem>>
    %dma_start3A_94 = arith.constant 4 : i32
    %dma_start3A_95 = arith.constant 0 : i32
    %dma_start3A_96 = arith.constant 0 : i32
    %dma_start3A_97 = tpu.memref_slice %arg3[%dma_start3A_94, %dma_start3A_90, %dma_start3A_95, %dma_start3A_96] : memref<16x3x128x128xf32, #tpu.memory_space<vmem>> -> memref<2x1x128x128xf32, #tpu.memory_space<vmem>>
    %dma_start3A_98 = tpu.memref_squeeze %dma_start3A_97 : memref<2x1x128x128xf32, #tpu.memory_space<vmem>> -> memref<2x128x128xf32, #tpu.memory_space<vmem>>
    %dma_start3A_99 = arith.constant 4 : i32
    %dma_start3A_100 = arith.constant 0 : i32
    %dma_start3A_101 = arith.constant 0 : i32
    %dma_start3A_102 = tpu.memref_slice %arg1[%dma_start3A_99, %dma_start3A_89, %dma_start3A_100, %dma_start3A_101] : memref<16x9x128x128xf32, #tpu.memory_space<any>> -> memref<2x1x128x128xf32, #tpu.memory_space<any>>
    %dma_start3A_103 = tpu.memref_squeeze %dma_start3A_102 : memref<2x1x128x128xf32, #tpu.memory_space<any>> -> memref<2x128x128xf32, #tpu.memory_space<any>>
    tpu.enqueue_dma source(%dma_start3A_103 : memref<2x128x128xf32, #tpu.memory_space<any>>) target(%dma_start3A_98 : memref<2x128x128xf32, #tpu.memory_space<vmem>>) target_semaphore(%dma_start3A_93 : memref<!tpu.dma_semaphore, #tpu.memory_space<semaphore_mem>>)
    %dma_start3A_104 = arith.constant 5 : i32
    %dma_start3A_105 = arith.constant 1 : i32
    %dma_start3A_106 = arith.constant 7 : i32
    %dma_start3A_107 = tpu.memref_slice %arg4[%dma_start3A_106] : memref<24x!tpu.dma_semaphore, #tpu.memory_space<semaphore_mem>> -> memref<1x!tpu.dma_semaphore, #tpu.memory_space<semaphore_mem>>
    %dma_start3A_108 = tpu.memref_squeeze %dma_start3A_107 : memref<1x!tpu.dma_semaphore, #tpu.memory_space<semaphore_mem>> -> memref<!tpu.dma_semaphore, #tpu.memory_space<semaphore_mem>>
    %dma_start3A_109 = arith.constant 4 : i32
    %dma_start3A_110 = arith.constant 0 : i32
    %dma_start3A_111 = arith.constant 0 : i32
    %dma_start3A_112 = tpu.memref_slice %arg3[%dma_start3A_109, %dma_start3A_105, %dma_start3A_110, %dma_start3A_111] : memref<16x3x128x128xf32, #tpu.memory_space<vmem>> -> memref<2x1x128x128xf32, #tpu.memory_space<vmem>>
    %dma_start3A_113 = tpu.memref_squeeze %dma_start3A_112 : memref<2x1x128x128xf32, #tpu.memory_space<vmem>> -> memref<2x128x128xf32, #tpu.memory_space<vmem>>
    %dma_start3A_114 = arith.constant 4 : i32
    %dma_start3A_115 = arith.constant 0 : i32
    %dma_start3A_116 = arith.constant 0 : i32
    %dma_start3A_117 = tpu.memref_slice %arg1[%dma_start3A_114, %dma_start3A_104, %dma_start3A_115, %dma_start3A_116] : memref<16x9x128x128xf32, #tpu.memory_space<any>> -> memref<2x1x128x128xf32, #tpu.memory_space<any>>
    %dma_start3A_118 = tpu.memref_squeeze %dma_start3A_117 : memref<2x1x128x128xf32, #tpu.memory_space<any>> -> memref<2x128x128xf32, #tpu.memory_space<any>>
    tpu.enqueue_dma source(%dma_start3A_118 : memref<2x128x128xf32, #tpu.memory_space<any>>) target(%dma_start3A_113 : memref<2x128x128xf32, #tpu.memory_space<vmem>>) target_semaphore(%dma_start3A_108 : memref<!tpu.dma_semaphore, #tpu.memory_space<semaphore_mem>>)
    %dma_start3A_119 = arith.constant 8 : i32
    %dma_start3A_120 = arith.constant 2 : i32
    %dma_start3A_121 = arith.constant 8 : i32
    %dma_start3A_122 = tpu.memref_slice %arg4[%dma_start3A_121] : memref<24x!tpu.dma_semaphore, #tpu.memory_space<semaphore_mem>> -> memref<1x!tpu.dma_semaphore, #tpu.memory_space<semaphore_mem>>
    %dma_start3A_123 = tpu.memref_squeeze %dma_start3A_122 : memref<1x!tpu.dma_semaphore, #tpu.memory_space<semaphore_mem>> -> memref<!tpu.dma_semaphore, #tpu.memory_space<semaphore_mem>>
    %dma_start3A_124 = arith.constant 4 : i32
    %dma_start3A_125 = arith.constant 0 : i32
    %dma_start3A_126 = arith.constant 0 : i32
    %dma_start3A_127 = tpu.memref_slice %arg3[%dma_start3A_124, %dma_start3A_120, %dma_start3A_125, %dma_start3A_126] : memref<16x3x128x128xf32, #tpu.memory_space<vmem>> -> memref<2x1x128x128xf32, #tpu.memory_space<vmem>>
    %dma_start3A_128 = tpu.memref_squeeze %dma_start3A_127 : memref<2x1x128x128xf32, #tpu.memory_space<vmem>> -> memref<2x128x128xf32, #tpu.memory_space<vmem>>
    %dma_start3A_129 = arith.constant 4 : i32
    %dma_start3A_130 = arith.constant 0 : i32
    %dma_start3A_131 = arith.constant 0 : i32
    %dma_start3A_132 = tpu.memref_slice %arg1[%dma_start3A_129, %dma_start3A_119, %dma_start3A_130, %dma_start3A_131] : memref<16x9x128x128xf32, #tpu.memory_space<any>> -> memref<2x1x128x128xf32, #tpu.memory_space<any>>
    %dma_start3A_133 = tpu.memref_squeeze %dma_start3A_132 : memref<2x1x128x128xf32, #tpu.memory_space<any>> -> memref<2x128x128xf32, #tpu.memory_space<any>>
    tpu.enqueue_dma source(%dma_start3A_133 : memref<2x128x128xf32, #tpu.memory_space<any>>) target(%dma_start3A_128 : memref<2x128x128xf32, #tpu.memory_space<vmem>>) target_semaphore(%dma_start3A_123 : memref<!tpu.dma_semaphore, #tpu.memory_space<semaphore_mem>>)
    %dma_start3A_134 = arith.constant 2 : i32
    %dma_start3A_135 = arith.constant 0 : i32
    %dma_start3A_136 = arith.constant 9 : i32
    %dma_start3A_137 = tpu.memref_slice %arg4[%dma_start3A_136] : memref<24x!tpu.dma_semaphore, #tpu.memory_space<semaphore_mem>> -> memref<1x!tpu.dma_semaphore, #tpu.memory_space<semaphore_mem>>
    %dma_start3A_138 = tpu.memref_squeeze %dma_start3A_137 : memref<1x!tpu.dma_semaphore, #tpu.memory_space<semaphore_mem>> -> memref<!tpu.dma_semaphore, #tpu.memory_space<semaphore_mem>>
    %dma_start3A_139 = arith.constant 6 : i32
    %dma_start3A_140 = arith.constant 0 : i32
    %dma_start3A_141 = arith.constant 0 : i32
    %dma_start3A_142 = tpu.memref_slice %arg3[%dma_start3A_139, %dma_start3A_135, %dma_start3A_140, %dma_start3A_141] : memref<16x3x128x128xf32, #tpu.memory_space<vmem>> -> memref<2x1x128x128xf32, #tpu.memory_space<vmem>>
    %dma_start3A_143 = tpu.memref_squeeze %dma_start3A_142 : memref<2x1x128x128xf32, #tpu.memory_space<vmem>> -> memref<2x128x128xf32, #tpu.memory_space<vmem>>
    %dma_start3A_144 = arith.constant 6 : i32
    %dma_start3A_145 = arith.constant 0 : i32
    %dma_start3A_146 = arith.constant 0 : i32
    %dma_start3A_147 = tpu.memref_slice %arg1[%dma_start3A_144, %dma_start3A_134, %dma_start3A_145, %dma_start3A_146] : memref<16x9x128x128xf32, #tpu.memory_space<any>> -> memref<2x1x128x128xf32, #tpu.memory_space<any>>
    %dma_start3A_148 = tpu.memref_squeeze %dma_start3A_147 : memref<2x1x128x128xf32, #tpu.memory_space<any>> -> memref<2x128x128xf32, #tpu.memory_space<any>>
    tpu.enqueue_dma source(%dma_start3A_148 : memref<2x128x128xf32, #tpu.memory_space<any>>) target(%dma_start3A_143 : memref<2x128x128xf32, #tpu.memory_space<vmem>>) target_semaphore(%dma_start3A_138 : memref<!tpu.dma_semaphore, #tpu.memory_space<semaphore_mem>>)
    %dma_start3A_149 = arith.constant 5 : i32
    %dma_start3A_150 = arith.constant 1 : i32
    %dma_start3A_151 = arith.constant 10 : i32
    %dma_start3A_152 = tpu.memref_slice %arg4[%dma_start3A_151] : memref<24x!tpu.dma_semaphore, #tpu.memory_space<semaphore_mem>> -> memref<1x!tpu.dma_semaphore, #tpu.memory_space<semaphore_mem>>
    %dma_start3A_153 = tpu.memref_squeeze %dma_start3A_152 : memref<1x!tpu.dma_semaphore, #tpu.memory_space<semaphore_mem>> -> memref<!tpu.dma_semaphore, #tpu.memory_space<semaphore_mem>>
    %dma_start3A_154 = arith.constant 6 : i32
    %dma_start3A_155 = arith.constant 0 : i32
    %dma_start3A_156 = arith.constant 0 : i32
    %dma_start3A_157 = tpu.memref_slice %arg3[%dma_start3A_154, %dma_start3A_150, %dma_start3A_155, %dma_start3A_156] : memref<16x3x128x128xf32, #tpu.memory_space<vmem>> -> memref<2x1x128x128xf32, #tpu.memory_space<vmem>>
    %dma_start3A_158 = tpu.memref_squeeze %dma_start3A_157 : memref<2x1x128x128xf32, #tpu.memory_space<vmem>> -> memref<2x128x128xf32, #tpu.memory_space<vmem>>
    %dma_start3A_159 = arith.constant 6 : i32
    %dma_start3A_160 = arith.constant 0 : i32
    %dma_start3A_161 = arith.constant 0 : i32
    %dma_start3A_162 = tpu.memref_slice %arg1[%dma_start3A_159, %dma_start3A_149, %dma_start3A_160, %dma_start3A_161] : memref<16x9x128x128xf32, #tpu.memory_space<any>> -> memref<2x1x128x128xf32, #tpu.memory_space<any>>
    %dma_start3A_163 = tpu.memref_squeeze %dma_start3A_162 : memref<2x1x128x128xf32, #tpu.memory_space<any>> -> memref<2x128x128xf32, #tpu.memory_space<any>>
    tpu.enqueue_dma source(%dma_start3A_163 : memref<2x128x128xf32, #tpu.memory_space<any>>) target(%dma_start3A_158 : memref<2x128x128xf32, #tpu.memory_space<vmem>>) target_semaphore(%dma_start3A_153 : memref<!tpu.dma_semaphore, #tpu.memory_space<semaphore_mem>>)
    %dma_start3A_164 = arith.constant 8 : i32
    %dma_start3A_165 = arith.constant 2 : i32
    %dma_start3A_166 = arith.constant 11 : i32
    %dma_start3A_167 = tpu.memref_slice %arg4[%dma_start3A_166] : memref<24x!tpu.dma_semaphore, #tpu.memory_space<semaphore_mem>> -> memref<1x!tpu.dma_semaphore, #tpu.memory_space<semaphore_mem>>
    %dma_start3A_168 = tpu.memref_squeeze %dma_start3A_167 : memref<1x!tpu.dma_semaphore, #tpu.memory_space<semaphore_mem>> -> memref<!tpu.dma_semaphore, #tpu.memory_space<semaphore_mem>>
    %dma_start3A_169 = arith.constant 6 : i32
    %dma_start3A_170 = arith.constant 0 : i32
    %dma_start3A_171 = arith.constant 0 : i32
    %dma_start3A_172 = tpu.memref_slice %arg3[%dma_start3A_169, %dma_start3A_165, %dma_start3A_170, %dma_start3A_171] : memref<16x3x128x128xf32, #tpu.memory_space<vmem>> -> memref<2x1x128x128xf32, #tpu.memory_space<vmem>>
    %dma_start3A_173 = tpu.memref_squeeze %dma_start3A_172 : memref<2x1x128x128xf32, #tpu.memory_space<vmem>> -> memref<2x128x128xf32, #tpu.memory_space<vmem>>
    %dma_start3A_174 = arith.constant 6 : i32
    %dma_start3A_175 = arith.constant 0 : i32
    %dma_start3A_176 = arith.constant 0 : i32
    %dma_start3A_177 = tpu.memref_slice %arg1[%dma_start3A_174, %dma_start3A_164, %dma_start3A_175, %dma_start3A_176] : memref<16x9x128x128xf32, #tpu.memory_space<any>> -> memref<2x1x128x128xf32, #tpu.memory_space<any>>
    %dma_start3A_178 = tpu.memref_squeeze %dma_start3A_177 : memref<2x1x128x128xf32, #tpu.memory_space<any>> -> memref<2x128x128xf32, #tpu.memory_space<any>>
    tpu.enqueue_dma source(%dma_start3A_178 : memref<2x128x128xf32, #tpu.memory_space<any>>) target(%dma_start3A_173 : memref<2x128x128xf32, #tpu.memory_space<vmem>>) target_semaphore(%dma_start3A_168 : memref<!tpu.dma_semaphore, #tpu.memory_space<semaphore_mem>>)
    %dma_start3A_179 = arith.constant 2 : i32
    %dma_start3A_180 = arith.constant 0 : i32
    %dma_start3A_181 = arith.constant 12 : i32
    %dma_start3A_182 = tpu.memref_slice %arg4[%dma_start3A_181] : memref<24x!tpu.dma_semaphore, #tpu.memory_space<semaphore_mem>> -> memref<1x!tpu.dma_semaphore, #tpu.memory_space<semaphore_mem>>
    %dma_start3A_183 = tpu.memref_squeeze %dma_start3A_182 : memref<1x!tpu.dma_semaphore, #tpu.memory_space<semaphore_mem>> -> memref<!tpu.dma_semaphore, #tpu.memory_space<semaphore_mem>>
    %dma_start3A_184 = arith.constant 8 : i32
    %dma_start3A_185 = arith.constant 0 : i32
    %dma_start3A_186 = arith.constant 0 : i32
    %dma_start3A_187 = tpu.memref_slice %arg3[%dma_start3A_184, %dma_start3A_180, %dma_start3A_185, %dma_start3A_186] : memref<16x3x128x128xf32, #tpu.memory_space<vmem>> -> memref<2x1x128x128xf32, #tpu.memory_space<vmem>>
    %dma_start3A_188 = tpu.memref_squeeze %dma_start3A_187 : memref<2x1x128x128xf32, #tpu.memory_space<vmem>> -> memref<2x128x128xf32, #tpu.memory_space<vmem>>
    %dma_start3A_189 = arith.constant 8 : i32
    %dma_start3A_190 = arith.constant 0 : i32
    %dma_start3A_191 = arith.constant 0 : i32
    %dma_start3A_192 = tpu.memref_slice %arg1[%dma_start3A_189, %dma_start3A_179, %dma_start3A_190, %dma_start3A_191] : memref<16x9x128x128xf32, #tpu.memory_space<any>> -> memref<2x1x128x128xf32, #tpu.memory_space<any>>
    %dma_start3A_193 = tpu.memref_squeeze %dma_start3A_192 : memref<2x1x128x128xf32, #tpu.memory_space<any>> -> memref<2x128x128xf32, #tpu.memory_space<any>>
    tpu.enqueue_dma source(%dma_start3A_193 : memref<2x128x128xf32, #tpu.memory_space<any>>) target(%dma_start3A_188 : memref<2x128x128xf32, #tpu.memory_space<vmem>>) target_semaphore(%dma_start3A_183 : memref<!tpu.dma_semaphore, #tpu.memory_space<semaphore_mem>>)
    %dma_start3A_194 = arith.constant 5 : i32
    %dma_start3A_195 = arith.constant 1 : i32
    %dma_start3A_196 = arith.constant 13 : i32
    %dma_start3A_197 = tpu.memref_slice %arg4[%dma_start3A_196] : memref<24x!tpu.dma_semaphore, #tpu.memory_space<semaphore_mem>> -> memref<1x!tpu.dma_semaphore, #tpu.memory_space<semaphore_mem>>
    %dma_start3A_198 = tpu.memref_squeeze %dma_start3A_197 : memref<1x!tpu.dma_semaphore, #tpu.memory_space<semaphore_mem>> -> memref<!tpu.dma_semaphore, #tpu.memory_space<semaphore_mem>>
    %dma_start3A_199 = arith.constant 8 : i32
    %dma_start3A_200 = arith.constant 0 : i32
    %dma_start3A_201 = arith.constant 0 : i32
    %dma_start3A_202 = tpu.memref_slice %arg3[%dma_start3A_199, %dma_start3A_195, %dma_start3A_200, %dma_start3A_201] : memref<16x3x128x128xf32, #tpu.memory_space<vmem>> -> memref<2x1x128x128xf32, #tpu.memory_space<vmem>>
    %dma_start3A_203 = tpu.memref_squeeze %dma_start3A_202 : memref<2x1x128x128xf32, #tpu.memory_space<vmem>> -> memref<2x128x128xf32, #tpu.memory_space<vmem>>
    %dma_start3A_204 = arith.constant 8 : i32
    %dma_start3A_205 = arith.constant 0 : i32
    %dma_start3A_206 = arith.constant 0 : i32
    %dma_start3A_207 = tpu.memref_slice %arg1[%dma_start3A_204, %dma_start3A_194, %dma_start3A_205, %dma_start3A_206] : memref<16x9x128x128xf32, #tpu.memory_space<any>> -> memref<2x1x128x128xf32, #tpu.memory_space<any>>
    %dma_start3A_208 = tpu.memref_squeeze %dma_start3A_207 : memref<2x1x128x128xf32, #tpu.memory_space<any>> -> memref<2x128x128xf32, #tpu.memory_space<any>>
    tpu.enqueue_dma source(%dma_start3A_208 : memref<2x128x128xf32, #tpu.memory_space<any>>) target(%dma_start3A_203 : memref<2x128x128xf32, #tpu.memory_space<vmem>>) target_semaphore(%dma_start3A_198 : memref<!tpu.dma_semaphore, #tpu.memory_space<semaphore_mem>>)
    %dma_start3A_209 = arith.constant 8 : i32
    %dma_start3A_210 = arith.constant 2 : i32
    %dma_start3A_211 = arith.constant 14 : i32
    %dma_start3A_212 = tpu.memref_slice %arg4[%dma_start3A_211] : memref<24x!tpu.dma_semaphore, #tpu.memory_space<semaphore_mem>> -> memref<1x!tpu.dma_semaphore, #tpu.memory_space<semaphore_mem>>
    %dma_start3A_213 = tpu.memref_squeeze %dma_start3A_212 : memref<1x!tpu.dma_semaphore, #tpu.memory_space<semaphore_mem>> -> memref<!tpu.dma_semaphore, #tpu.memory_space<semaphore_mem>>
    %dma_start3A_214 = arith.constant 8 : i32
    %dma_start3A_215 = arith.constant 0 : i32
    %dma_start3A_216 = arith.constant 0 : i32
    %dma_start3A_217 = tpu.memref_slice %arg3[%dma_start3A_214, %dma_start3A_210, %dma_start3A_215, %dma_start3A_216] : memref<16x3x128x128xf32, #tpu.memory_space<vmem>> -> memref<2x1x128x128xf32, #tpu.memory_space<vmem>>
    %dma_start3A_218 = tpu.memref_squeeze %dma_start3A_217 : memref<2x1x128x128xf32, #tpu.memory_space<vmem>> -> memref<2x128x128xf32, #tpu.memory_space<vmem>>
    %dma_start3A_219 = arith.constant 8 : i32
    %dma_start3A_220 = arith.constant 0 : i32
    %dma_start3A_221 = arith.constant 0 : i32
    %dma_start3A_222 = tpu.memref_slice %arg1[%dma_start3A_219, %dma_start3A_209, %dma_start3A_220, %dma_start3A_221] : memref<16x9x128x128xf32, #tpu.memory_space<any>> -> memref<2x1x128x128xf32, #tpu.memory_space<any>>
    %dma_start3A_223 = tpu.memref_squeeze %dma_start3A_222 : memref<2x1x128x128xf32, #tpu.memory_space<any>> -> memref<2x128x128xf32, #tpu.memory_space<any>>
    tpu.enqueue_dma source(%dma_start3A_223 : memref<2x128x128xf32, #tpu.memory_space<any>>) target(%dma_start3A_218 : memref<2x128x128xf32, #tpu.memory_space<vmem>>) target_semaphore(%dma_start3A_213 : memref<!tpu.dma_semaphore, #tpu.memory_space<semaphore_mem>>)
    %dma_start3A_224 = arith.constant 2 : i32
    %dma_start3A_225 = arith.constant 0 : i32
    %dma_start3A_226 = arith.constant 15 : i32
    %dma_start3A_227 = tpu.memref_slice %arg4[%dma_start3A_226] : memref<24x!tpu.dma_semaphore, #tpu.memory_space<semaphore_mem>> -> memref<1x!tpu.dma_semaphore, #tpu.memory_space<semaphore_mem>>
    %dma_start3A_228 = tpu.memref_squeeze %dma_start3A_227 : memref<1x!tpu.dma_semaphore, #tpu.memory_space<semaphore_mem>> -> memref<!tpu.dma_semaphore, #tpu.memory_space<semaphore_mem>>
    %dma_start3A_229 = arith.constant 10 : i32
    %dma_start3A_230 = arith.constant 0 : i32
    %dma_start3A_231 = arith.constant 0 : i32
    %dma_start3A_232 = tpu.memref_slice %arg3[%dma_start3A_229, %dma_start3A_225, %dma_start3A_230, %dma_start3A_231] : memref<16x3x128x128xf32, #tpu.memory_space<vmem>> -> memref<2x1x128x128xf32, #tpu.memory_space<vmem>>
    %dma_start3A_233 = tpu.memref_squeeze %dma_start3A_232 : memref<2x1x128x128xf32, #tpu.memory_space<vmem>> -> memref<2x128x128xf32, #tpu.memory_space<vmem>>
    %dma_start3A_234 = arith.constant 10 : i32
    %dma_start3A_235 = arith.constant 0 : i32
    %dma_start3A_236 = arith.constant 0 : i32
    %dma_start3A_237 = tpu.memref_slice %arg1[%dma_start3A_234, %dma_start3A_224, %dma_start3A_235, %dma_start3A_236] : memref<16x9x128x128xf32, #tpu.memory_space<any>> -> memref<2x1x128x128xf32, #tpu.memory_space<any>>
    %dma_start3A_238 = tpu.memref_squeeze %dma_start3A_237 : memref<2x1x128x128xf32, #tpu.memory_space<any>> -> memref<2x128x128xf32, #tpu.memory_space<any>>
    tpu.enqueue_dma source(%dma_start3A_238 : memref<2x128x128xf32, #tpu.memory_space<any>>) target(%dma_start3A_233 : memref<2x128x128xf32, #tpu.memory_space<vmem>>) target_semaphore(%dma_start3A_228 : memref<!tpu.dma_semaphore, #tpu.memory_space<semaphore_mem>>)
    %dma_start3A_239 = arith.constant 5 : i32
    %dma_start3A_240 = arith.constant 1 : i32
    %dma_start3A_241 = arith.constant 16 : i32
    %dma_start3A_242 = tpu.memref_slice %arg4[%dma_start3A_241] : memref<24x!tpu.dma_semaphore, #tpu.memory_space<semaphore_mem>> -> memref<1x!tpu.dma_semaphore, #tpu.memory_space<semaphore_mem>>
    %dma_start3A_243 = tpu.memref_squeeze %dma_start3A_242 : memref<1x!tpu.dma_semaphore, #tpu.memory_space<semaphore_mem>> -> memref<!tpu.dma_semaphore, #tpu.memory_space<semaphore_mem>>
    %dma_start3A_244 = arith.constant 10 : i32
    %dma_start3A_245 = arith.constant 0 : i32
    %dma_start3A_246 = arith.constant 0 : i32
    %dma_start3A_247 = tpu.memref_slice %arg3[%dma_start3A_244, %dma_start3A_240, %dma_start3A_245, %dma_start3A_246] : memref<16x3x128x128xf32, #tpu.memory_space<vmem>> -> memref<2x1x128x128xf32, #tpu.memory_space<vmem>>
    %dma_start3A_248 = tpu.memref_squeeze %dma_start3A_247 : memref<2x1x128x128xf32, #tpu.memory_space<vmem>> -> memref<2x128x128xf32, #tpu.memory_space<vmem>>
    %dma_start3A_249 = arith.constant 10 : i32
    %dma_start3A_250 = arith.constant 0 : i32
    %dma_start3A_251 = arith.constant 0 : i32
    %dma_start3A_252 = tpu.memref_slice %arg1[%dma_start3A_249, %dma_start3A_239, %dma_start3A_250, %dma_start3A_251] : memref<16x9x128x128xf32, #tpu.memory_space<any>> -> memref<2x1x128x128xf32, #tpu.memory_space<any>>
    %dma_start3A_253 = tpu.memref_squeeze %dma_start3A_252 : memref<2x1x128x128xf32, #tpu.memory_space<any>> -> memref<2x128x128xf32, #tpu.memory_space<any>>
    tpu.enqueue_dma source(%dma_start3A_253 : memref<2x128x128xf32, #tpu.memory_space<any>>) target(%dma_start3A_248 : memref<2x128x128xf32, #tpu.memory_space<vmem>>) target_semaphore(%dma_start3A_243 : memref<!tpu.dma_semaphore, #tpu.memory_space<semaphore_mem>>)
    %dma_start3A_254 = arith.constant 8 : i32
    %dma_start3A_255 = arith.constant 2 : i32
    %dma_start3A_256 = arith.constant 17 : i32
    %dma_start3A_257 = tpu.memref_slice %arg4[%dma_start3A_256] : memref<24x!tpu.dma_semaphore, #tpu.memory_space<semaphore_mem>> -> memref<1x!tpu.dma_semaphore, #tpu.memory_space<semaphore_mem>>
    %dma_start3A_258 = tpu.memref_squeeze %dma_start3A_257 : memref<1x!tpu.dma_semaphore, #tpu.memory_space<semaphore_mem>> -> memref<!tpu.dma_semaphore, #tpu.memory_space<semaphore_mem>>
    %dma_start3A_259 = arith.constant 10 : i32
    %dma_start3A_260 = arith.constant 0 : i32
    %dma_start3A_261 = arith.constant 0 : i32
    %dma_start3A_262 = tpu.memref_slice %arg3[%dma_start3A_259, %dma_start3A_255, %dma_start3A_260, %dma_start3A_261] : memref<16x3x128x128xf32, #tpu.memory_space<vmem>> -> memref<2x1x128x128xf32, #tpu.memory_space<vmem>>
    %dma_start3A_263 = tpu.memref_squeeze %dma_start3A_262 : memref<2x1x128x128xf32, #tpu.memory_space<vmem>> -> memref<2x128x128xf32, #tpu.memory_space<vmem>>
    %dma_start3A_264 = arith.constant 10 : i32
    %dma_start3A_265 = arith.constant 0 : i32
    %dma_start3A_266 = arith.constant 0 : i32
    %dma_start3A_267 = tpu.memref_slice %arg1[%dma_start3A_264, %dma_start3A_254, %dma_start3A_265, %dma_start3A_266] : memref<16x9x128x128xf32, #tpu.memory_space<any>> -> memref<2x1x128x128xf32, #tpu.memory_space<any>>
    %dma_start3A_268 = tpu.memref_squeeze %dma_start3A_267 : memref<2x1x128x128xf32, #tpu.memory_space<any>> -> memref<2x128x128xf32, #tpu.memory_space<any>>
    tpu.enqueue_dma source(%dma_start3A_268 : memref<2x128x128xf32, #tpu.memory_space<any>>) target(%dma_start3A_263 : memref<2x128x128xf32, #tpu.memory_space<vmem>>) target_semaphore(%dma_start3A_258 : memref<!tpu.dma_semaphore, #tpu.memory_space<semaphore_mem>>)
    %dma_start3A_269 = arith.constant 2 : i32
    %dma_start3A_270 = arith.constant 0 : i32
    %dma_start3A_271 = arith.constant 18 : i32
    %dma_start3A_272 = tpu.memref_slice %arg4[%dma_start3A_271] : memref<24x!tpu.dma_semaphore, #tpu.memory_space<semaphore_mem>> -> memref<1x!tpu.dma_semaphore, #tpu.memory_space<semaphore_mem>>
    %dma_start3A_273 = tpu.memref_squeeze %dma_start3A_272 : memref<1x!tpu.dma_semaphore, #tpu.memory_space<semaphore_mem>> -> memref<!tpu.dma_semaphore, #tpu.memory_space<semaphore_mem>>
    %dma_start3A_274 = arith.constant 12 : i32
    %dma_start3A_275 = arith.constant 0 : i32
    %dma_start3A_276 = arith.constant 0 : i32
    %dma_start3A_277 = tpu.memref_slice %arg3[%dma_start3A_274, %dma_start3A_270, %dma_start3A_275, %dma_start3A_276] : memref<16x3x128x128xf32, #tpu.memory_space<vmem>> -> memref<2x1x128x128xf32, #tpu.memory_space<vmem>>
    %dma_start3A_278 = tpu.memref_squeeze %dma_start3A_277 : memref<2x1x128x128xf32, #tpu.memory_space<vmem>> -> memref<2x128x128xf32, #tpu.memory_space<vmem>>
    %dma_start3A_279 = arith.constant 12 : i32
    %dma_start3A_280 = arith.constant 0 : i32
    %dma_start3A_281 = arith.constant 0 : i32
    %dma_start3A_282 = tpu.memref_slice %arg1[%dma_start3A_279, %dma_start3A_269, %dma_start3A_280, %dma_start3A_281] : memref<16x9x128x128xf32, #tpu.memory_space<any>> -> memref<2x1x128x128xf32, #tpu.memory_space<any>>
    %dma_start3A_283 = tpu.memref_squeeze %dma_start3A_282 : memref<2x1x128x128xf32, #tpu.memory_space<any>> -> memref<2x128x128xf32, #tpu.memory_space<any>>
    tpu.enqueue_dma source(%dma_start3A_283 : memref<2x128x128xf32, #tpu.memory_space<any>>) target(%dma_start3A_278 : memref<2x128x128xf32, #tpu.memory_space<vmem>>) target_semaphore(%dma_start3A_273 : memref<!tpu.dma_semaphore, #tpu.memory_space<semaphore_mem>>)
    %dma_start3A_284 = arith.constant 5 : i32
    %dma_start3A_285 = arith.constant 1 : i32
    %dma_start3A_286 = arith.constant 19 : i32
    %dma_start3A_287 = tpu.memref_slice %arg4[%dma_start3A_286] : memref<24x!tpu.dma_semaphore, #tpu.memory_space<semaphore_mem>> -> memref<1x!tpu.dma_semaphore, #tpu.memory_space<semaphore_mem>>
    %dma_start3A_288 = tpu.memref_squeeze %dma_start3A_287 : memref<1x!tpu.dma_semaphore, #tpu.memory_space<semaphore_mem>> -> memref<!tpu.dma_semaphore, #tpu.memory_space<semaphore_mem>>
    %dma_start3A_289 = arith.constant 12 : i32
    %dma_start3A_290 = arith.constant 0 : i32
    %dma_start3A_291 = arith.constant 0 : i32
    %dma_start3A_292 = tpu.memref_slice %arg3[%dma_start3A_289, %dma_start3A_285, %dma_start3A_290, %dma_start3A_291] : memref<16x3x128x128xf32, #tpu.memory_space<vmem>> -> memref<2x1x128x128xf32, #tpu.memory_space<vmem>>
    %dma_start3A_293 = tpu.memref_squeeze %dma_start3A_292 : memref<2x1x128x128xf32, #tpu.memory_space<vmem>> -> memref<2x128x128xf32, #tpu.memory_space<vmem>>
    %dma_start3A_294 = arith.constant 12 : i32
    %dma_start3A_295 = arith.constant 0 : i32
    %dma_start3A_296 = arith.constant 0 : i32
    %dma_start3A_297 = tpu.memref_slice %arg1[%dma_start3A_294, %dma_start3A_284, %dma_start3A_295, %dma_start3A_296] : memref<16x9x128x128xf32, #tpu.memory_space<any>> -> memref<2x1x128x128xf32, #tpu.memory_space<any>>
    %dma_start3A_298 = tpu.memref_squeeze %dma_start3A_297 : memref<2x1x128x128xf32, #tpu.memory_space<any>> -> memref<2x128x128xf32, #tpu.memory_space<any>>
    tpu.enqueue_dma source(%dma_start3A_298 : memref<2x128x128xf32, #tpu.memory_space<any>>) target(%dma_start3A_293 : memref<2x128x128xf32, #tpu.memory_space<vmem>>) target_semaphore(%dma_start3A_288 : memref<!tpu.dma_semaphore, #tpu.memory_space<semaphore_mem>>)
    %dma_start3A_299 = arith.constant 8 : i32
    %dma_start3A_300 = arith.constant 2 : i32
    %dma_start3A_301 = arith.constant 20 : i32
    %dma_start3A_302 = tpu.memref_slice %arg4[%dma_start3A_301] : memref<24x!tpu.dma_semaphore, #tpu.memory_space<semaphore_mem>> -> memref<1x!tpu.dma_semaphore, #tpu.memory_space<semaphore_mem>>
    %dma_start3A_303 = tpu.memref_squeeze %dma_start3A_302 : memref<1x!tpu.dma_semaphore, #tpu.memory_space<semaphore_mem>> -> memref<!tpu.dma_semaphore, #tpu.memory_space<semaphore_mem>>
    %dma_start3A_304 = arith.constant 12 : i32
    %dma_start3A_305 = arith.constant 0 : i32
    %dma_start3A_306 = arith.constant 0 : i32
    %dma_start3A_307 = tpu.memref_slice %arg3[%dma_start3A_304, %dma_start3A_300, %dma_start3A_305, %dma_start3A_306] : memref<16x3x128x128xf32, #tpu.memory_space<vmem>> -> memref<2x1x128x128xf32, #tpu.memory_space<vmem>>
    %dma_start3A_308 = tpu.memref_squeeze %dma_start3A_307 : memref<2x1x128x128xf32, #tpu.memory_space<vmem>> -> memref<2x128x128xf32, #tpu.memory_space<vmem>>
    %dma_start3A_309 = arith.constant 12 : i32
    %dma_start3A_310 = arith.constant 0 : i32
    %dma_start3A_311 = arith.constant 0 : i32
    %dma_start3A_312 = tpu.memref_slice %arg1[%dma_start3A_309, %dma_start3A_299, %dma_start3A_310, %dma_start3A_311] : memref<16x9x128x128xf32, #tpu.memory_space<any>> -> memref<2x1x128x128xf32, #tpu.memory_space<any>>
    %dma_start3A_313 = tpu.memref_squeeze %dma_start3A_312 : memref<2x1x128x128xf32, #tpu.memory_space<any>> -> memref<2x128x128xf32, #tpu.memory_space<any>>
    tpu.enqueue_dma source(%dma_start3A_313 : memref<2x128x128xf32, #tpu.memory_space<any>>) target(%dma_start3A_308 : memref<2x128x128xf32, #tpu.memory_space<vmem>>) target_semaphore(%dma_start3A_303 : memref<!tpu.dma_semaphore, #tpu.memory_space<semaphore_mem>>)
    %dma_start3A_314 = arith.constant 2 : i32
    %dma_start3A_315 = arith.constant 0 : i32
    %dma_start3A_316 = arith.constant 21 : i32
    %dma_start3A_317 = tpu.memref_slice %arg4[%dma_start3A_316] : memref<24x!tpu.dma_semaphore, #tpu.memory_space<semaphore_mem>> -> memref<1x!tpu.dma_semaphore, #tpu.memory_space<semaphore_mem>>
    %dma_start3A_318 = tpu.memref_squeeze %dma_start3A_317 : memref<1x!tpu.dma_semaphore, #tpu.memory_space<semaphore_mem>> -> memref<!tpu.dma_semaphore, #tpu.memory_space<semaphore_mem>>
    %dma_start3A_319 = arith.constant 14 : i32
    %dma_start3A_320 = arith.constant 0 : i32
    %dma_start3A_321 = arith.constant 0 : i32
    %dma_start3A_322 = tpu.memref_slice %arg3[%dma_start3A_319, %dma_start3A_315, %dma_start3A_320, %dma_start3A_321] : memref<16x3x128x128xf32, #tpu.memory_space<vmem>> -> memref<2x1x128x128xf32, #tpu.memory_space<vmem>>
    %dma_start3A_323 = tpu.memref_squeeze %dma_start3A_322 : memref<2x1x128x128xf32, #tpu.memory_space<vmem>> -> memref<2x128x128xf32, #tpu.memory_space<vmem>>
    %dma_start3A_324 = arith.constant 14 : i32
    %dma_start3A_325 = arith.constant 0 : i32
    %dma_start3A_326 = arith.constant 0 : i32
    %dma_start3A_327 = tpu.memref_slice %arg1[%dma_start3A_324, %dma_start3A_314, %dma_start3A_325, %dma_start3A_326] : memref<16x9x128x128xf32, #tpu.memory_space<any>> -> memref<2x1x128x128xf32, #tpu.memory_space<any>>
    %dma_start3A_328 = tpu.memref_squeeze %dma_start3A_327 : memref<2x1x128x128xf32, #tpu.memory_space<any>> -> memref<2x128x128xf32, #tpu.memory_space<any>>
    tpu.enqueue_dma source(%dma_start3A_328 : memref<2x128x128xf32, #tpu.memory_space<any>>) target(%dma_start3A_323 : memref<2x128x128xf32, #tpu.memory_space<vmem>>) target_semaphore(%dma_start3A_318 : memref<!tpu.dma_semaphore, #tpu.memory_space<semaphore_mem>>)
    %dma_start3A_329 = arith.constant 5 : i32
    %dma_start3A_330 = arith.constant 1 : i32
    %dma_start3A_331 = arith.constant 22 : i32
    %dma_start3A_332 = tpu.memref_slice %arg4[%dma_start3A_331] : memref<24x!tpu.dma_semaphore, #tpu.memory_space<semaphore_mem>> -> memref<1x!tpu.dma_semaphore, #tpu.memory_space<semaphore_mem>>
    %dma_start3A_333 = tpu.memref_squeeze %dma_start3A_332 : memref<1x!tpu.dma_semaphore, #tpu.memory_space<semaphore_mem>> -> memref<!tpu.dma_semaphore, #tpu.memory_space<semaphore_mem>>
    %dma_start3A_334 = arith.constant 14 : i32
    %dma_start3A_335 = arith.constant 0 : i32
    %dma_start3A_336 = arith.constant 0 : i32
    %dma_start3A_337 = tpu.memref_slice %arg3[%dma_start3A_334, %dma_start3A_330, %dma_start3A_335, %dma_start3A_336] : memref<16x3x128x128xf32, #tpu.memory_space<vmem>> -> memref<2x1x128x128xf32, #tpu.memory_space<vmem>>
    %dma_start3A_338 = tpu.memref_squeeze %dma_start3A_337 : memref<2x1x128x128xf32, #tpu.memory_space<vmem>> -> memref<2x128x128xf32, #tpu.memory_space<vmem>>
    %dma_start3A_339 = arith.constant 14 : i32
    %dma_start3A_340 = arith.constant 0 : i32
    %dma_start3A_341 = arith.constant 0 : i32
    %dma_start3A_342 = tpu.memref_slice %arg1[%dma_start3A_339, %dma_start3A_329, %dma_start3A_340, %dma_start3A_341] : memref<16x9x128x128xf32, #tpu.memory_space<any>> -> memref<2x1x128x128xf32, #tpu.memory_space<any>>
    %dma_start3A_343 = tpu.memref_squeeze %dma_start3A_342 : memref<2x1x128x128xf32, #tpu.memory_space<any>> -> memref<2x128x128xf32, #tpu.memory_space<any>>
    tpu.enqueue_dma source(%dma_start3A_343 : memref<2x128x128xf32, #tpu.memory_space<any>>) target(%dma_start3A_338 : memref<2x128x128xf32, #tpu.memory_space<vmem>>) target_semaphore(%dma_start3A_333 : memref<!tpu.dma_semaphore, #tpu.memory_space<semaphore_mem>>)
    %dma_start3A_344 = arith.constant 8 : i32
    %dma_start3A_345 = arith.constant 2 : i32
    %dma_start3A_346 = arith.constant 23 : i32
    %dma_start3A_347 = tpu.memref_slice %arg4[%dma_start3A_346] : memref<24x!tpu.dma_semaphore, #tpu.memory_space<semaphore_mem>> -> memref<1x!tpu.dma_semaphore, #tpu.memory_space<semaphore_mem>>
    %dma_start3A_348 = tpu.memref_squeeze %dma_start3A_347 : memref<1x!tpu.dma_semaphore, #tpu.memory_space<semaphore_mem>> -> memref<!tpu.dma_semaphore, #tpu.memory_space<semaphore_mem>>
    %dma_start3A_349 = arith.constant 14 : i32
    %dma_start3A_350 = arith.constant 0 : i32
    %dma_start3A_351 = arith.constant 0 : i32
    %dma_start3A_352 = tpu.memref_slice %arg3[%dma_start3A_349, %dma_start3A_345, %dma_start3A_350, %dma_start3A_351] : memref<16x3x128x128xf32, #tpu.memory_space<vmem>> -> memref<2x1x128x128xf32, #tpu.memory_space<vmem>>
    %dma_start3A_353 = tpu.memref_squeeze %dma_start3A_352 : memref<2x1x128x128xf32, #tpu.memory_space<vmem>> -> memref<2x128x128xf32, #tpu.memory_space<vmem>>
    %dma_start3A_354 = arith.constant 14 : i32
    %dma_start3A_355 = arith.constant 0 : i32
    %dma_start3A_356 = arith.constant 0 : i32
    %dma_start3A_357 = tpu.memref_slice %arg1[%dma_start3A_354, %dma_start3A_344, %dma_start3A_355, %dma_start3A_356] : memref<16x9x128x128xf32, #tpu.memory_space<any>> -> memref<2x1x128x128xf32, #tpu.memory_space<any>>
    %dma_start3A_358 = tpu.memref_squeeze %dma_start3A_357 : memref<2x1x128x128xf32, #tpu.memory_space<any>> -> memref<2x128x128xf32, #tpu.memory_space<any>>
    tpu.enqueue_dma source(%dma_start3A_358 : memref<2x128x128xf32, #tpu.memory_space<any>>) target(%dma_start3A_353 : memref<2x128x128xf32, #tpu.memory_space<vmem>>) target_semaphore(%dma_start3A_348 : memref<!tpu.dma_semaphore, #tpu.memory_space<semaphore_mem>>)
    %broadcast_in_dim3A = arith.constant 0.000000e+00 : f32
    %broadcast_in_dim3A_359 = vector.broadcast %broadcast_in_dim3A : f32 to vector<8x128xf32>
    %dma_wait3A = arith.constant 2 : i32
    %dma_wait3A_360 = arith.constant 0 : i32
    %dma_wait3A_361 = arith.constant 0 : i32
    %dma_wait3A_362 = tpu.memref_slice %arg4[%dma_wait3A_361] : memref<24x!tpu.dma_semaphore, #tpu.memory_space<semaphore_mem>> -> memref<1x!tpu.dma_semaphore, #tpu.memory_space<semaphore_mem>>
    %dma_wait3A_363 = tpu.memref_squeeze %dma_wait3A_362 : memref<1x!tpu.dma_semaphore, #tpu.memory_space<semaphore_mem>> -> memref<!tpu.dma_semaphore, #tpu.memory_space<semaphore_mem>>
    %dma_wait3A_364 = arith.constant 0 : i32
    %dma_wait3A_365 = arith.constant 0 : i32
    %dma_wait3A_366 = arith.constant 0 : i32
    %dma_wait3A_367 = tpu.memref_slice %arg3[%dma_wait3A_364, %dma_wait3A_360, %dma_wait3A_365, %dma_wait3A_366] : memref<16x3x128x128xf32, #tpu.memory_space<vmem>> -> memref<2x1x128x128xf32, #tpu.memory_space<vmem>>
    %dma_wait3A_368 = tpu.memref_squeeze %dma_wait3A_367 : memref<2x1x128x128xf32, #tpu.memory_space<vmem>> -> memref<2x128x128xf32, #tpu.memory_space<vmem>>
    %dma_wait3A_369 = arith.constant 0 : i32
    %dma_wait3A_370 = arith.constant 0 : i32
    %dma_wait3A_371 = arith.constant 0 : i32
    %dma_wait3A_372 = tpu.memref_slice %arg1[%dma_wait3A_369, %dma_wait3A, %dma_wait3A_370, %dma_wait3A_371] : memref<16x9x128x128xf32, #tpu.memory_space<any>> -> memref<2x1x128x128xf32, #tpu.memory_space<any>>
    %dma_wait3A_373 = tpu.memref_squeeze %dma_wait3A_372 : memref<2x1x128x128xf32, #tpu.memory_space<any>> -> memref<2x128x128xf32, #tpu.memory_space<any>>
    tpu.wait_dma2 semaphore(%dma_wait3A_363 : memref<!tpu.dma_semaphore, #tpu.memory_space<semaphore_mem>>) src(%dma_wait3A_373 : memref<2x128x128xf32, #tpu.memory_space<any>>) dst(%dma_wait3A_368 : memref<2x128x128xf32, #tpu.memory_space<vmem>>)
    %dma_wait3A_374 = arith.constant 5 : i32
    %dma_wait3A_375 = arith.constant 1 : i32
    %dma_wait3A_376 = arith.constant 1 : i32
    %dma_wait3A_377 = tpu.memref_slice %arg4[%dma_wait3A_376] : memref<24x!tpu.dma_semaphore, #tpu.memory_space<semaphore_mem>> -> memref<1x!tpu.dma_semaphore, #tpu.memory_space<semaphore_mem>>
    %dma_wait3A_378 = tpu.memref_squeeze %dma_wait3A_377 : memref<1x!tpu.dma_semaphore, #tpu.memory_space<semaphore_mem>> -> memref<!tpu.dma_semaphore, #tpu.memory_space<semaphore_mem>>
    %dma_wait3A_379 = arith.constant 0 : i32
    %dma_wait3A_380 = arith.constant 0 : i32
    %dma_wait3A_381 = arith.constant 0 : i32
    %dma_wait3A_382 = tpu.memref_slice %arg3[%dma_wait3A_379, %dma_wait3A_375, %dma_wait3A_380, %dma_wait3A_381] : memref<16x3x128x128xf32, #tpu.memory_space<vmem>> -> memref<2x1x128x128xf32, #tpu.memory_space<vmem>>
    %dma_wait3A_383 = tpu.memref_squeeze %dma_wait3A_382 : memref<2x1x128x128xf32, #tpu.memory_space<vmem>> -> memref<2x128x128xf32, #tpu.memory_space<vmem>>
    %dma_wait3A_384 = arith.constant 0 : i32
    %dma_wait3A_385 = arith.constant 0 : i32
    %dma_wait3A_386 = arith.constant 0 : i32
    %dma_wait3A_387 = tpu.memref_slice %arg1[%dma_wait3A_384, %dma_wait3A_374, %dma_wait3A_385, %dma_wait3A_386] : memref<16x9x128x128xf32, #tpu.memory_space<any>> -> memref<2x1x128x128xf32, #tpu.memory_space<any>>
    %dma_wait3A_388 = tpu.memref_squeeze %dma_wait3A_387 : memref<2x1x128x128xf32, #tpu.memory_space<any>> -> memref<2x128x128xf32, #tpu.memory_space<any>>
    tpu.wait_dma2 semaphore(%dma_wait3A_378 : memref<!tpu.dma_semaphore, #tpu.memory_space<semaphore_mem>>) src(%dma_wait3A_388 : memref<2x128x128xf32, #tpu.memory_space<any>>) dst(%dma_wait3A_383 : memref<2x128x128xf32, #tpu.memory_space<vmem>>)
    %dma_wait3A_389 = arith.constant 8 : i32
    %dma_wait3A_390 = arith.constant 2 : i32
    %dma_wait3A_391 = arith.constant 2 : i32
    %dma_wait3A_392 = tpu.memref_slice %arg4[%dma_wait3A_391] : memref<24x!tpu.dma_semaphore, #tpu.memory_space<semaphore_mem>> -> memref<1x!tpu.dma_semaphore, #tpu.memory_space<semaphore_mem>>
    %dma_wait3A_393 = tpu.memref_squeeze %dma_wait3A_392 : memref<1x!tpu.dma_semaphore, #tpu.memory_space<semaphore_mem>> -> memref<!tpu.dma_semaphore, #tpu.memory_space<semaphore_mem>>
    %dma_wait3A_394 = arith.constant 0 : i32
    %dma_wait3A_395 = arith.constant 0 : i32
    %dma_wait3A_396 = arith.constant 0 : i32
    %dma_wait3A_397 = tpu.memref_slice %arg3[%dma_wait3A_394, %dma_wait3A_390, %dma_wait3A_395, %dma_wait3A_396] : memref<16x3x128x128xf32, #tpu.memory_space<vmem>> -> memref<2x1x128x128xf32, #tpu.memory_space<vmem>>
    %dma_wait3A_398 = tpu.memref_squeeze %dma_wait3A_397 : memref<2x1x128x128xf32, #tpu.memory_space<vmem>> -> memref<2x128x128xf32, #tpu.memory_space<vmem>>
    %dma_wait3A_399 = arith.constant 0 : i32
    %dma_wait3A_400 = arith.constant 0 : i32
    %dma_wait3A_401 = arith.constant 0 : i32
    %dma_wait3A_402 = tpu.memref_slice %arg1[%dma_wait3A_399, %dma_wait3A_389, %dma_wait3A_400, %dma_wait3A_401] : memref<16x9x128x128xf32, #tpu.memory_space<any>> -> memref<2x1x128x128xf32, #tpu.memory_space<any>>
    %dma_wait3A_403 = tpu.memref_squeeze %dma_wait3A_402 : memref<2x1x128x128xf32, #tpu.memory_space<any>> -> memref<2x128x128xf32, #tpu.memory_space<any>>
    tpu.wait_dma2 semaphore(%dma_wait3A_393 : memref<!tpu.dma_semaphore, #tpu.memory_space<semaphore_mem>>) src(%dma_wait3A_403 : memref<2x128x128xf32, #tpu.memory_space<any>>) dst(%dma_wait3A_398 : memref<2x128x128xf32, #tpu.memory_space<vmem>>)
    %get3A = arith.constant 0 : index
    %get3A_404 = arith.constant 0 : index
    %get3A_405 = arith.constant 0 : index
    %get3A_406 = arith.constant 0 : index
    %get3A_407 = vector.load %arg3[%get3A, %get3A_404, %get3A_405, %get3A_406] : memref<16x3x128x128xf32, #tpu.memory_space<vmem>>, vector<2x3x128x128xf32>
    %exp3A = math.exp %get3A_407 : vector<2x3x128x128xf32>
    %log1p3A = math.log1p %exp3A : vector<2x3x128x128xf32>
    %reshape3A = vector.shape_cast %log1p3A : vector<2x3x128x128xf32> to vector<96x8x128xf32>
    %reduce_sum3A = arith.constant dense<0.000000e+00> : vector<8x128xf32>
    %reduce_sum3A_408 = vector.multi_reduction <add>, %reshape3A, %reduce_sum3A [0] : vector<96x8x128xf32> to vector<8x128xf32>
    %add3A = arith.addf %broadcast_in_dim3A_359, %reduce_sum3A_408 : vector<8x128xf32>
    %dma_wait3A_409 = arith.constant 2 : i32
    %dma_wait3A_410 = arith.constant 0 : i32
    %dma_wait3A_411 = arith.constant 3 : i32
    %dma_wait3A_412 = tpu.memref_slice %arg4[%dma_wait3A_411] : memref<24x!tpu.dma_semaphore, #tpu.memory_space<semaphore_mem>> -> memref<1x!tpu.dma_semaphore, #tpu.memory_space<semaphore_mem>>
    %dma_wait3A_413 = tpu.memref_squeeze %dma_wait3A_412 : memref<1x!tpu.dma_semaphore, #tpu.memory_space<semaphore_mem>> -> memref<!tpu.dma_semaphore, #tpu.memory_space<semaphore_mem>>
    %dma_wait3A_414 = arith.constant 2 : i32
    %dma_wait3A_415 = arith.constant 0 : i32
    %dma_wait3A_416 = arith.constant 0 : i32
    %dma_wait3A_417 = tpu.memref_slice %arg3[%dma_wait3A_414, %dma_wait3A_410, %dma_wait3A_415, %dma_wait3A_416] : memref<16x3x128x128xf32, #tpu.memory_space<vmem>> -> memref<2x1x128x128xf32, #tpu.memory_space<vmem>>
    %dma_wait3A_418 = tpu.memref_squeeze %dma_wait3A_417 : memref<2x1x128x128xf32, #tpu.memory_space<vmem>> -> memref<2x128x128xf32, #tpu.memory_space<vmem>>
    %dma_wait3A_419 = arith.constant 2 : i32
    %dma_wait3A_420 = arith.constant 0 : i32
    %dma_wait3A_421 = arith.constant 0 : i32
    %dma_wait3A_422 = tpu.memref_slice %arg1[%dma_wait3A_419, %dma_wait3A_409, %dma_wait3A_420, %dma_wait3A_421] : memref<16x9x128x128xf32, #tpu.memory_space<any>> -> memref<2x1x128x128xf32, #tpu.memory_space<any>>
    %dma_wait3A_423 = tpu.memref_squeeze %dma_wait3A_422 : memref<2x1x128x128xf32, #tpu.memory_space<any>> -> memref<2x128x128xf32, #tpu.memory_space<any>>
    tpu.wait_dma2 semaphore(%dma_wait3A_413 : memref<!tpu.dma_semaphore, #tpu.memory_space<semaphore_mem>>) src(%dma_wait3A_423 : memref<2x128x128xf32, #tpu.memory_space<any>>) dst(%dma_wait3A_418 : memref<2x128x128xf32, #tpu.memory_space<vmem>>)
    %dma_wait3A_424 = arith.constant 5 : i32
    %dma_wait3A_425 = arith.constant 1 : i32
    %dma_wait3A_426 = arith.constant 4 : i32
    %dma_wait3A_427 = tpu.memref_slice %arg4[%dma_wait3A_426] : memref<24x!tpu.dma_semaphore, #tpu.memory_space<semaphore_mem>> -> memref<1x!tpu.dma_semaphore, #tpu.memory_space<semaphore_mem>>
    %dma_wait3A_428 = tpu.memref_squeeze %dma_wait3A_427 : memref<1x!tpu.dma_semaphore, #tpu.memory_space<semaphore_mem>> -> memref<!tpu.dma_semaphore, #tpu.memory_space<semaphore_mem>>
    %dma_wait3A_429 = arith.constant 2 : i32
    %dma_wait3A_430 = arith.constant 0 : i32
    %dma_wait3A_431 = arith.constant 0 : i32
    %dma_wait3A_432 = tpu.memref_slice %arg3[%dma_wait3A_429, %dma_wait3A_425, %dma_wait3A_430, %dma_wait3A_431] : memref<16x3x128x128xf32, #tpu.memory_space<vmem>> -> memref<2x1x128x128xf32, #tpu.memory_space<vmem>>
    %dma_wait3A_433 = tpu.memref_squeeze %dma_wait3A_432 : memref<2x1x128x128xf32, #tpu.memory_space<vmem>> -> memref<2x128x128xf32, #tpu.memory_space<vmem>>
    %dma_wait3A_434 = arith.constant 2 : i32
    %dma_wait3A_435 = arith.constant 0 : i32
    %dma_wait3A_436 = arith.constant 0 : i32
    %dma_wait3A_437 = tpu.memref_slice %arg1[%dma_wait3A_434, %dma_wait3A_424, %dma_wait3A_435, %dma_wait3A_436] : memref<16x9x128x128xf32, #tpu.memory_space<any>> -> memref<2x1x128x128xf32, #tpu.memory_space<any>>
    %dma_wait3A_438 = tpu.memref_squeeze %dma_wait3A_437 : memref<2x1x128x128xf32, #tpu.memory_space<any>> -> memref<2x128x128xf32, #tpu.memory_space<any>>
    tpu.wait_dma2 semaphore(%dma_wait3A_428 : memref<!tpu.dma_semaphore, #tpu.memory_space<semaphore_mem>>) src(%dma_wait3A_438 : memref<2x128x128xf32, #tpu.memory_space<any>>) dst(%dma_wait3A_433 : memref<2x128x128xf32, #tpu.memory_space<vmem>>)
    %dma_wait3A_439 = arith.constant 8 : i32
    %dma_wait3A_440 = arith.constant 2 : i32
    %dma_wait3A_441 = arith.constant 5 : i32
    %dma_wait3A_442 = tpu.memref_slice %arg4[%dma_wait3A_441] : memref<24x!tpu.dma_semaphore, #tpu.memory_space<semaphore_mem>> -> memref<1x!tpu.dma_semaphore, #tpu.memory_space<semaphore_mem>>
    %dma_wait3A_443 = tpu.memref_squeeze %dma_wait3A_442 : memref<1x!tpu.dma_semaphore, #tpu.memory_space<semaphore_mem>> -> memref<!tpu.dma_semaphore, #tpu.memory_space<semaphore_mem>>
    %dma_wait3A_444 = arith.constant 2 : i32
    %dma_wait3A_445 = arith.constant 0 : i32
    %dma_wait3A_446 = arith.constant 0 : i32
    %dma_wait3A_447 = tpu.memref_slice %arg3[%dma_wait3A_444, %dma_wait3A_440, %dma_wait3A_445, %dma_wait3A_446] : memref<16x3x128x128xf32, #tpu.memory_space<vmem>> -> memref<2x1x128x128xf32, #tpu.memory_space<vmem>>
    %dma_wait3A_448 = tpu.memref_squeeze %dma_wait3A_447 : memref<2x1x128x128xf32, #tpu.memory_space<vmem>> -> memref<2x128x128xf32, #tpu.memory_space<vmem>>
    %dma_wait3A_449 = arith.constant 2 : i32
    %dma_wait3A_450 = arith.constant 0 : i32
    %dma_wait3A_451 = arith.constant 0 : i32
    %dma_wait3A_452 = tpu.memref_slice %arg1[%dma_wait3A_449, %dma_wait3A_439, %dma_wait3A_450, %dma_wait3A_451] : memref<16x9x128x128xf32, #tpu.memory_space<any>> -> memref<2x1x128x128xf32, #tpu.memory_space<any>>
    %dma_wait3A_453 = tpu.memref_squeeze %dma_wait3A_452 : memref<2x1x128x128xf32, #tpu.memory_space<any>> -> memref<2x128x128xf32, #tpu.memory_space<any>>
    tpu.wait_dma2 semaphore(%dma_wait3A_443 : memref<!tpu.dma_semaphore, #tpu.memory_space<semaphore_mem>>) src(%dma_wait3A_453 : memref<2x128x128xf32, #tpu.memory_space<any>>) dst(%dma_wait3A_448 : memref<2x128x128xf32, #tpu.memory_space<vmem>>)
    %get3A_454 = arith.constant 2 : index
    %get3A_455 = arith.constant 0 : index
    %get3A_456 = arith.constant 0 : index
    %get3A_457 = arith.constant 0 : index
    %get3A_458 = vector.load %arg3[%get3A_454, %get3A_455, %get3A_456, %get3A_457] : memref<16x3x128x128xf32, #tpu.memory_space<vmem>>, vector<2x3x128x128xf32>
    %exp3A_459 = math.exp %get3A_458 : vector<2x3x128x128xf32>
    %log1p3A_460 = math.log1p %exp3A_459 : vector<2x3x128x128xf32>
    %reshape3A_461 = vector.shape_cast %log1p3A_460 : vector<2x3x128x128xf32> to vector<96x8x128xf32>
    %reduce_sum3A_462 = arith.constant dense<0.000000e+00> : vector<8x128xf32>
    %reduce_sum3A_463 = vector.multi_reduction <add>, %reshape3A_461, %reduce_sum3A_462 [0] : vector<96x8x128xf32> to vector<8x128xf32>
    %add3A_464 = arith.addf %add3A, %reduce_sum3A_463 : vector<8x128xf32>
    %dma_wait3A_465 = arith.constant 2 : i32
    %dma_wait3A_466 = arith.constant 0 : i32
    %dma_wait3A_467 = arith.constant 6 : i32
    %dma_wait3A_468 = tpu.memref_slice %arg4[%dma_wait3A_467] : memref<24x!tpu.dma_semaphore, #tpu.memory_space<semaphore_mem>> -> memref<1x!tpu.dma_semaphore, #tpu.memory_space<semaphore_mem>>
    %dma_wait3A_469 = tpu.memref_squeeze %dma_wait3A_468 : memref<1x!tpu.dma_semaphore, #tpu.memory_space<semaphore_mem>> -> memref<!tpu.dma_semaphore, #tpu.memory_space<semaphore_mem>>
    %dma_wait3A_470 = arith.constant 4 : i32
    %dma_wait3A_471 = arith.constant 0 : i32
    %dma_wait3A_472 = arith.constant 0 : i32
    %dma_wait3A_473 = tpu.memref_slice %arg3[%dma_wait3A_470, %dma_wait3A_466, %dma_wait3A_471, %dma_wait3A_472] : memref<16x3x128x128xf32, #tpu.memory_space<vmem>> -> memref<2x1x128x128xf32, #tpu.memory_space<vmem>>
    %dma_wait3A_474 = tpu.memref_squeeze %dma_wait3A_473 : memref<2x1x128x128xf32, #tpu.memory_space<vmem>> -> memref<2x128x128xf32, #tpu.memory_space<vmem>>
    %dma_wait3A_475 = arith.constant 4 : i32
    %dma_wait3A_476 = arith.constant 0 : i32
    %dma_wait3A_477 = arith.constant 0 : i32
    %dma_wait3A_478 = tpu.memref_slice %arg1[%dma_wait3A_475, %dma_wait3A_465, %dma_wait3A_476, %dma_wait3A_477] : memref<16x9x128x128xf32, #tpu.memory_space<any>> -> memref<2x1x128x128xf32, #tpu.memory_space<any>>
    %dma_wait3A_479 = tpu.memref_squeeze %dma_wait3A_478 : memref<2x1x128x128xf32, #tpu.memory_space<any>> -> memref<2x128x128xf32, #tpu.memory_space<any>>
    tpu.wait_dma2 semaphore(%dma_wait3A_469 : memref<!tpu.dma_semaphore, #tpu.memory_space<semaphore_mem>>) src(%dma_wait3A_479 : memref<2x128x128xf32, #tpu.memory_space<any>>) dst(%dma_wait3A_474 : memref<2x128x128xf32, #tpu.memory_space<vmem>>)
    %dma_wait3A_480 = arith.constant 5 : i32
    %dma_wait3A_481 = arith.constant 1 : i32
    %dma_wait3A_482 = arith.constant 7 : i32
    %dma_wait3A_483 = tpu.memref_slice %arg4[%dma_wait3A_482] : memref<24x!tpu.dma_semaphore, #tpu.memory_space<semaphore_mem>> -> memref<1x!tpu.dma_semaphore, #tpu.memory_space<semaphore_mem>>
    %dma_wait3A_484 = tpu.memref_squeeze %dma_wait3A_483 : memref<1x!tpu.dma_semaphore, #tpu.memory_space<semaphore_mem>> -> memref<!tpu.dma_semaphore, #tpu.memory_space<semaphore_mem>>
    %dma_wait3A_485 = arith.constant 4 : i32
    %dma_wait3A_486 = arith.constant 0 : i32
    %dma_wait3A_487 = arith.constant 0 : i32
    %dma_wait3A_488 = tpu.memref_slice %arg3[%dma_wait3A_485, %dma_wait3A_481, %dma_wait3A_486, %dma_wait3A_487] : memref<16x3x128x128xf32, #tpu.memory_space<vmem>> -> memref<2x1x128x128xf32, #tpu.memory_space<vmem>>
    %dma_wait3A_489 = tpu.memref_squeeze %dma_wait3A_488 : memref<2x1x128x128xf32, #tpu.memory_space<vmem>> -> memref<2x128x128xf32, #tpu.memory_space<vmem>>
    %dma_wait3A_490 = arith.constant 4 : i32
    %dma_wait3A_491 = arith.constant 0 : i32
    %dma_wait3A_492 = arith.constant 0 : i32
    %dma_wait3A_493 = tpu.memref_slice %arg1[%dma_wait3A_490, %dma_wait3A_480, %dma_wait3A_491, %dma_wait3A_492] : memref<16x9x128x128xf32, #tpu.memory_space<any>> -> memref<2x1x128x128xf32, #tpu.memory_space<any>>
    %dma_wait3A_494 = tpu.memref_squeeze %dma_wait3A_493 : memref<2x1x128x128xf32, #tpu.memory_space<any>> -> memref<2x128x128xf32, #tpu.memory_space<any>>
    tpu.wait_dma2 semaphore(%dma_wait3A_484 : memref<!tpu.dma_semaphore, #tpu.memory_space<semaphore_mem>>) src(%dma_wait3A_494 : memref<2x128x128xf32, #tpu.memory_space<any>>) dst(%dma_wait3A_489 : memref<2x128x128xf32, #tpu.memory_space<vmem>>)
    %dma_wait3A_495 = arith.constant 8 : i32
    %dma_wait3A_496 = arith.constant 2 : i32
    %dma_wait3A_497 = arith.constant 8 : i32
    %dma_wait3A_498 = tpu.memref_slice %arg4[%dma_wait3A_497] : memref<24x!tpu.dma_semaphore, #tpu.memory_space<semaphore_mem>> -> memref<1x!tpu.dma_semaphore, #tpu.memory_space<semaphore_mem>>
    %dma_wait3A_499 = tpu.memref_squeeze %dma_wait3A_498 : memref<1x!tpu.dma_semaphore, #tpu.memory_space<semaphore_mem>> -> memref<!tpu.dma_semaphore, #tpu.memory_space<semaphore_mem>>
    %dma_wait3A_500 = arith.constant 4 : i32
    %dma_wait3A_501 = arith.constant 0 : i32
    %dma_wait3A_502 = arith.constant 0 : i32
    %dma_wait3A_503 = tpu.memref_slice %arg3[%dma_wait3A_500, %dma_wait3A_496, %dma_wait3A_501, %dma_wait3A_502] : memref<16x3x128x128xf32, #tpu.memory_space<vmem>> -> memref<2x1x128x128xf32, #tpu.memory_space<vmem>>
    %dma_wait3A_504 = tpu.memref_squeeze %dma_wait3A_503 : memref<2x1x128x128xf32, #tpu.memory_space<vmem>> -> memref<2x128x128xf32, #tpu.memory_space<vmem>>
    %dma_wait3A_505 = arith.constant 4 : i32
    %dma_wait3A_506 = arith.constant 0 : i32
    %dma_wait3A_507 = arith.constant 0 : i32
    %dma_wait3A_508 = tpu.memref_slice %arg1[%dma_wait3A_505, %dma_wait3A_495, %dma_wait3A_506, %dma_wait3A_507] : memref<16x9x128x128xf32, #tpu.memory_space<any>> -> memref<2x1x128x128xf32, #tpu.memory_space<any>>
    %dma_wait3A_509 = tpu.memref_squeeze %dma_wait3A_508 : memref<2x1x128x128xf32, #tpu.memory_space<any>> -> memref<2x128x128xf32, #tpu.memory_space<any>>
    tpu.wait_dma2 semaphore(%dma_wait3A_499 : memref<!tpu.dma_semaphore, #tpu.memory_space<semaphore_mem>>) src(%dma_wait3A_509 : memref<2x128x128xf32, #tpu.memory_space<any>>) dst(%dma_wait3A_504 : memref<2x128x128xf32, #tpu.memory_space<vmem>>)
    %get3A_510 = arith.constant 4 : index
    %get3A_511 = arith.constant 0 : index
    %get3A_512 = arith.constant 0 : index
    %get3A_513 = arith.constant 0 : index
    %get3A_514 = vector.load %arg3[%get3A_510, %get3A_511, %get3A_512, %get3A_513] : memref<16x3x128x128xf32, #tpu.memory_space<vmem>>, vector<2x3x128x128xf32>
    %exp3A_515 = math.exp %get3A_514 : vector<2x3x128x128xf32>
    %log1p3A_516 = math.log1p %exp3A_515 : vector<2x3x128x128xf32>
    %reshape3A_517 = vector.shape_cast %log1p3A_516 : vector<2x3x128x128xf32> to vector<96x8x128xf32>
    %reduce_sum3A_518 = arith.constant dense<0.000000e+00> : vector<8x128xf32>
    %reduce_sum3A_519 = vector.multi_reduction <add>, %reshape3A_517, %reduce_sum3A_518 [0] : vector<96x8x128xf32> to vector<8x128xf32>
    %add3A_520 = arith.addf %add3A_464, %reduce_sum3A_519 : vector<8x128xf32>
    %dma_wait3A_521 = arith.constant 2 : i32
    %dma_wait3A_522 = arith.constant 0 : i32
    %dma_wait3A_523 = arith.constant 9 : i32
    %dma_wait3A_524 = tpu.memref_slice %arg4[%dma_wait3A_523] : memref<24x!tpu.dma_semaphore, #tpu.memory_space<semaphore_mem>> -> memref<1x!tpu.dma_semaphore, #tpu.memory_space<semaphore_mem>>
    %dma_wait3A_525 = tpu.memref_squeeze %dma_wait3A_524 : memref<1x!tpu.dma_semaphore, #tpu.memory_space<semaphore_mem>> -> memref<!tpu.dma_semaphore, #tpu.memory_space<semaphore_mem>>
    %dma_wait3A_526 = arith.constant 6 : i32
    %dma_wait3A_527 = arith.constant 0 : i32
    %dma_wait3A_528 = arith.constant 0 : i32
    %dma_wait3A_529 = tpu.memref_slice %arg3[%dma_wait3A_526, %dma_wait3A_522, %dma_wait3A_527, %dma_wait3A_528] : memref<16x3x128x128xf32, #tpu.memory_space<vmem>> -> memref<2x1x128x128xf32, #tpu.memory_space<vmem>>
    %dma_wait3A_530 = tpu.memref_squeeze %dma_wait3A_529 : memref<2x1x128x128xf32, #tpu.memory_space<vmem>> -> memref<2x128x128xf32, #tpu.memory_space<vmem>>
    %dma_wait3A_531 = arith.constant 6 : i32
    %dma_wait3A_532 = arith.constant 0 : i32
    %dma_wait3A_533 = arith.constant 0 : i32
    %dma_wait3A_534 = tpu.memref_slice %arg1[%dma_wait3A_531, %dma_wait3A_521, %dma_wait3A_532, %dma_wait3A_533] : memref<16x9x128x128xf32, #tpu.memory_space<any>> -> memref<2x1x128x128xf32, #tpu.memory_space<any>>
    %dma_wait3A_535 = tpu.memref_squeeze %dma_wait3A_534 : memref<2x1x128x128xf32, #tpu.memory_space<any>> -> memref<2x128x128xf32, #tpu.memory_space<any>>
    tpu.wait_dma2 semaphore(%dma_wait3A_525 : memref<!tpu.dma_semaphore, #tpu.memory_space<semaphore_mem>>) src(%dma_wait3A_535 : memref<2x128x128xf32, #tpu.memory_space<any>>) dst(%dma_wait3A_530 : memref<2x128x128xf32, #tpu.memory_space<vmem>>)
    %dma_wait3A_536 = arith.constant 5 : i32
    %dma_wait3A_537 = arith.constant 1 : i32
    %dma_wait3A_538 = arith.constant 10 : i32
    %dma_wait3A_539 = tpu.memref_slice %arg4[%dma_wait3A_538] : memref<24x!tpu.dma_semaphore, #tpu.memory_space<semaphore_mem>> -> memref<1x!tpu.dma_semaphore, #tpu.memory_space<semaphore_mem>>
    %dma_wait3A_540 = tpu.memref_squeeze %dma_wait3A_539 : memref<1x!tpu.dma_semaphore, #tpu.memory_space<semaphore_mem>> -> memref<!tpu.dma_semaphore, #tpu.memory_space<semaphore_mem>>
    %dma_wait3A_541 = arith.constant 6 : i32
    %dma_wait3A_542 = arith.constant 0 : i32
    %dma_wait3A_543 = arith.constant 0 : i32
    %dma_wait3A_544 = tpu.memref_slice %arg3[%dma_wait3A_541, %dma_wait3A_537, %dma_wait3A_542, %dma_wait3A_543] : memref<16x3x128x128xf32, #tpu.memory_space<vmem>> -> memref<2x1x128x128xf32, #tpu.memory_space<vmem>>
    %dma_wait3A_545 = tpu.memref_squeeze %dma_wait3A_544 : memref<2x1x128x128xf32, #tpu.memory_space<vmem>> -> memref<2x128x128xf32, #tpu.memory_space<vmem>>
    %dma_wait3A_546 = arith.constant 6 : i32
    %dma_wait3A_547 = arith.constant 0 : i32
    %dma_wait3A_548 = arith.constant 0 : i32
    %dma_wait3A_549 = tpu.memref_slice %arg1[%dma_wait3A_546, %dma_wait3A_536, %dma_wait3A_547, %dma_wait3A_548] : memref<16x9x128x128xf32, #tpu.memory_space<any>> -> memref<2x1x128x128xf32, #tpu.memory_space<any>>
    %dma_wait3A_550 = tpu.memref_squeeze %dma_wait3A_549 : memref<2x1x128x128xf32, #tpu.memory_space<any>> -> memref<2x128x128xf32, #tpu.memory_space<any>>
    tpu.wait_dma2 semaphore(%dma_wait3A_540 : memref<!tpu.dma_semaphore, #tpu.memory_space<semaphore_mem>>) src(%dma_wait3A_550 : memref<2x128x128xf32, #tpu.memory_space<any>>) dst(%dma_wait3A_545 : memref<2x128x128xf32, #tpu.memory_space<vmem>>)
    %dma_wait3A_551 = arith.constant 8 : i32
    %dma_wait3A_552 = arith.constant 2 : i32
    %dma_wait3A_553 = arith.constant 11 : i32
    %dma_wait3A_554 = tpu.memref_slice %arg4[%dma_wait3A_553] : memref<24x!tpu.dma_semaphore, #tpu.memory_space<semaphore_mem>> -> memref<1x!tpu.dma_semaphore, #tpu.memory_space<semaphore_mem>>
    %dma_wait3A_555 = tpu.memref_squeeze %dma_wait3A_554 : memref<1x!tpu.dma_semaphore, #tpu.memory_space<semaphore_mem>> -> memref<!tpu.dma_semaphore, #tpu.memory_space<semaphore_mem>>
    %dma_wait3A_556 = arith.constant 6 : i32
    %dma_wait3A_557 = arith.constant 0 : i32
    %dma_wait3A_558 = arith.constant 0 : i32
    %dma_wait3A_559 = tpu.memref_slice %arg3[%dma_wait3A_556, %dma_wait3A_552, %dma_wait3A_557, %dma_wait3A_558] : memref<16x3x128x128xf32, #tpu.memory_space<vmem>> -> memref<2x1x128x128xf32, #tpu.memory_space<vmem>>
    %dma_wait3A_560 = tpu.memref_squeeze %dma_wait3A_559 : memref<2x1x128x128xf32, #tpu.memory_space<vmem>> -> memref<2x128x128xf32, #tpu.memory_space<vmem>>
    %dma_wait3A_561 = arith.constant 6 : i32
    %dma_wait3A_562 = arith.constant 0 : i32
    %dma_wait3A_563 = arith.constant 0 : i32
    %dma_wait3A_564 = tpu.memref_slice %arg1[%dma_wait3A_561, %dma_wait3A_551, %dma_wait3A_562, %dma_wait3A_563] : memref<16x9x128x128xf32, #tpu.memory_space<any>> -> memref<2x1x128x128xf32, #tpu.memory_space<any>>
    %dma_wait3A_565 = tpu.memref_squeeze %dma_wait3A_564 : memref<2x1x128x128xf32, #tpu.memory_space<any>> -> memref<2x128x128xf32, #tpu.memory_space<any>>
    tpu.wait_dma2 semaphore(%dma_wait3A_555 : memref<!tpu.dma_semaphore, #tpu.memory_space<semaphore_mem>>) src(%dma_wait3A_565 : memref<2x128x128xf32, #tpu.memory_space<any>>) dst(%dma_wait3A_560 : memref<2x128x128xf32, #tpu.memory_space<vmem>>)
    %get3A_566 = arith.constant 6 : index
    %get3A_567 = arith.constant 0 : index
    %get3A_568 = arith.constant 0 : index
    %get3A_569 = arith.constant 0 : index
    %get3A_570 = vector.load %arg3[%get3A_566, %get3A_567, %get3A_568, %get3A_569] : memref<16x3x128x128xf32, #tpu.memory_space<vmem>>, vector<2x3x128x128xf32>
    %exp3A_571 = math.exp %get3A_570 : vector<2x3x128x128xf32>
    %log1p3A_572 = math.log1p %exp3A_571 : vector<2x3x128x128xf32>
    %reshape3A_573 = vector.shape_cast %log1p3A_572 : vector<2x3x128x128xf32> to vector<96x8x128xf32>
    %reduce_sum3A_574 = arith.constant dense<0.000000e+00> : vector<8x128xf32>
    %reduce_sum3A_575 = vector.multi_reduction <add>, %reshape3A_573, %reduce_sum3A_574 [0] : vector<96x8x128xf32> to vector<8x128xf32>
    %add3A_576 = arith.addf %add3A_520, %reduce_sum3A_575 : vector<8x128xf32>
    %dma_wait3A_577 = arith.constant 2 : i32
    %dma_wait3A_578 = arith.constant 0 : i32
    %dma_wait3A_579 = arith.constant 12 : i32
    %dma_wait3A_580 = tpu.memref_slice %arg4[%dma_wait3A_579] : memref<24x!tpu.dma_semaphore, #tpu.memory_space<semaphore_mem>> -> memref<1x!tpu.dma_semaphore, #tpu.memory_space<semaphore_mem>>
    %dma_wait3A_581 = tpu.memref_squeeze %dma_wait3A_580 : memref<1x!tpu.dma_semaphore, #tpu.memory_space<semaphore_mem>> -> memref<!tpu.dma_semaphore, #tpu.memory_space<semaphore_mem>>
    %dma_wait3A_582 = arith.constant 8 : i32
    %dma_wait3A_583 = arith.constant 0 : i32
    %dma_wait3A_584 = arith.constant 0 : i32
    %dma_wait3A_585 = tpu.memref_slice %arg3[%dma_wait3A_582, %dma_wait3A_578, %dma_wait3A_583, %dma_wait3A_584] : memref<16x3x128x128xf32, #tpu.memory_space<vmem>> -> memref<2x1x128x128xf32, #tpu.memory_space<vmem>>
    %dma_wait3A_586 = tpu.memref_squeeze %dma_wait3A_585 : memref<2x1x128x128xf32, #tpu.memory_space<vmem>> -> memref<2x128x128xf32, #tpu.memory_space<vmem>>
    %dma_wait3A_587 = arith.constant 8 : i32
    %dma_wait3A_588 = arith.constant 0 : i32
    %dma_wait3A_589 = arith.constant 0 : i32
    %dma_wait3A_590 = tpu.memref_slice %arg1[%dma_wait3A_587, %dma_wait3A_577, %dma_wait3A_588, %dma_wait3A_589] : memref<16x9x128x128xf32, #tpu.memory_space<any>> -> memref<2x1x128x128xf32, #tpu.memory_space<any>>
    %dma_wait3A_591 = tpu.memref_squeeze %dma_wait3A_590 : memref<2x1x128x128xf32, #tpu.memory_space<any>> -> memref<2x128x128xf32, #tpu.memory_space<any>>
    tpu.wait_dma2 semaphore(%dma_wait3A_581 : memref<!tpu.dma_semaphore, #tpu.memory_space<semaphore_mem>>) src(%dma_wait3A_591 : memref<2x128x128xf32, #tpu.memory_space<any>>) dst(%dma_wait3A_586 : memref<2x128x128xf32, #tpu.memory_space<vmem>>)
    %dma_wait3A_592 = arith.constant 5 : i32
    %dma_wait3A_593 = arith.constant 1 : i32
    %dma_wait3A_594 = arith.constant 13 : i32
    %dma_wait3A_595 = tpu.memref_slice %arg4[%dma_wait3A_594] : memref<24x!tpu.dma_semaphore, #tpu.memory_space<semaphore_mem>> -> memref<1x!tpu.dma_semaphore, #tpu.memory_space<semaphore_mem>>
    %dma_wait3A_596 = tpu.memref_squeeze %dma_wait3A_595 : memref<1x!tpu.dma_semaphore, #tpu.memory_space<semaphore_mem>> -> memref<!tpu.dma_semaphore, #tpu.memory_space<semaphore_mem>>
    %dma_wait3A_597 = arith.constant 8 : i32
    %dma_wait3A_598 = arith.constant 0 : i32
    %dma_wait3A_599 = arith.constant 0 : i32
    %dma_wait3A_600 = tpu.memref_slice %arg3[%dma_wait3A_597, %dma_wait3A_593, %dma_wait3A_598, %dma_wait3A_599] : memref<16x3x128x128xf32, #tpu.memory_space<vmem>> -> memref<2x1x128x128xf32, #tpu.memory_space<vmem>>
    %dma_wait3A_601 = tpu.memref_squeeze %dma_wait3A_600 : memref<2x1x128x128xf32, #tpu.memory_space<vmem>> -> memref<2x128x128xf32, #tpu.memory_space<vmem>>
    %dma_wait3A_602 = arith.constant 8 : i32
    %dma_wait3A_603 = arith.constant 0 : i32
    %dma_wait3A_604 = arith.constant 0 : i32
    %dma_wait3A_605 = tpu.memref_slice %arg1[%dma_wait3A_602, %dma_wait3A_592, %dma_wait3A_603, %dma_wait3A_604] : memref<16x9x128x128xf32, #tpu.memory_space<any>> -> memref<2x1x128x128xf32, #tpu.memory_space<any>>
    %dma_wait3A_606 = tpu.memref_squeeze %dma_wait3A_605 : memref<2x1x128x128xf32, #tpu.memory_space<any>> -> memref<2x128x128xf32, #tpu.memory_space<any>>
    tpu.wait_dma2 semaphore(%dma_wait3A_596 : memref<!tpu.dma_semaphore, #tpu.memory_space<semaphore_mem>>) src(%dma_wait3A_606 : memref<2x128x128xf32, #tpu.memory_space<any>>) dst(%dma_wait3A_601 : memref<2x128x128xf32, #tpu.memory_space<vmem>>)
    %dma_wait3A_607 = arith.constant 8 : i32
    %dma_wait3A_608 = arith.constant 2 : i32
    %dma_wait3A_609 = arith.constant 14 : i32
    %dma_wait3A_610 = tpu.memref_slice %arg4[%dma_wait3A_609] : memref<24x!tpu.dma_semaphore, #tpu.memory_space<semaphore_mem>> -> memref<1x!tpu.dma_semaphore, #tpu.memory_space<semaphore_mem>>
    %dma_wait3A_611 = tpu.memref_squeeze %dma_wait3A_610 : memref<1x!tpu.dma_semaphore, #tpu.memory_space<semaphore_mem>> -> memref<!tpu.dma_semaphore, #tpu.memory_space<semaphore_mem>>
    %dma_wait3A_612 = arith.constant 8 : i32
    %dma_wait3A_613 = arith.constant 0 : i32
    %dma_wait3A_614 = arith.constant 0 : i32
    %dma_wait3A_615 = tpu.memref_slice %arg3[%dma_wait3A_612, %dma_wait3A_608, %dma_wait3A_613, %dma_wait3A_614] : memref<16x3x128x128xf32, #tpu.memory_space<vmem>> -> memref<2x1x128x128xf32, #tpu.memory_space<vmem>>
    %dma_wait3A_616 = tpu.memref_squeeze %dma_wait3A_615 : memref<2x1x128x128xf32, #tpu.memory_space<vmem>> -> memref<2x128x128xf32, #tpu.memory_space<vmem>>
    %dma_wait3A_617 = arith.constant 8 : i32
    %dma_wait3A_618 = arith.constant 0 : i32
    %dma_wait3A_619 = arith.constant 0 : i32
    %dma_wait3A_620 = tpu.memref_slice %arg1[%dma_wait3A_617, %dma_wait3A_607, %dma_wait3A_618, %dma_wait3A_619] : memref<16x9x128x128xf32, #tpu.memory_space<any>> -> memref<2x1x128x128xf32, #tpu.memory_space<any>>
    %dma_wait3A_621 = tpu.memref_squeeze %dma_wait3A_620 : memref<2x1x128x128xf32, #tpu.memory_space<any>> -> memref<2x128x128xf32, #tpu.memory_space<any>>
    tpu.wait_dma2 semaphore(%dma_wait3A_611 : memref<!tpu.dma_semaphore, #tpu.memory_space<semaphore_mem>>) src(%dma_wait3A_621 : memref<2x128x128xf32, #tpu.memory_space<any>>) dst(%dma_wait3A_616 : memref<2x128x128xf32, #tpu.memory_space<vmem>>)
    %get3A_622 = arith.constant 8 : index
    %get3A_623 = arith.constant 0 : index
    %get3A_624 = arith.constant 0 : index
    %get3A_625 = arith.constant 0 : index
    %get3A_626 = vector.load %arg3[%get3A_622, %get3A_623, %get3A_624, %get3A_625] : memref<16x3x128x128xf32, #tpu.memory_space<vmem>>, vector<2x3x128x128xf32>
    %exp3A_627 = math.exp %get3A_626 : vector<2x3x128x128xf32>
    %log1p3A_628 = math.log1p %exp3A_627 : vector<2x3x128x128xf32>
    %reshape3A_629 = vector.shape_cast %log1p3A_628 : vector<2x3x128x128xf32> to vector<96x8x128xf32>
    %reduce_sum3A_630 = arith.constant dense<0.000000e+00> : vector<8x128xf32>
    %reduce_sum3A_631 = vector.multi_reduction <add>, %reshape3A_629, %reduce_sum3A_630 [0] : vector<96x8x128xf32> to vector<8x128xf32>
    %add3A_632 = arith.addf %add3A_576, %reduce_sum3A_631 : vector<8x128xf32>
    %dma_wait3A_633 = arith.constant 2 : i32
    %dma_wait3A_634 = arith.constant 0 : i32
    %dma_wait3A_635 = arith.constant 15 : i32
    %dma_wait3A_636 = tpu.memref_slice %arg4[%dma_wait3A_635] : memref<24x!tpu.dma_semaphore, #tpu.memory_space<semaphore_mem>> -> memref<1x!tpu.dma_semaphore, #tpu.memory_space<semaphore_mem>>
    %dma_wait3A_637 = tpu.memref_squeeze %dma_wait3A_636 : memref<1x!tpu.dma_semaphore, #tpu.memory_space<semaphore_mem>> -> memref<!tpu.dma_semaphore, #tpu.memory_space<semaphore_mem>>
    %dma_wait3A_638 = arith.constant 10 : i32
    %dma_wait3A_639 = arith.constant 0 : i32
    %dma_wait3A_640 = arith.constant 0 : i32
    %dma_wait3A_641 = tpu.memref_slice %arg3[%dma_wait3A_638, %dma_wait3A_634, %dma_wait3A_639, %dma_wait3A_640] : memref<16x3x128x128xf32, #tpu.memory_space<vmem>> -> memref<2x1x128x128xf32, #tpu.memory_space<vmem>>
    %dma_wait3A_642 = tpu.memref_squeeze %dma_wait3A_641 : memref<2x1x128x128xf32, #tpu.memory_space<vmem>> -> memref<2x128x128xf32, #tpu.memory_space<vmem>>
    %dma_wait3A_643 = arith.constant 10 : i32
    %dma_wait3A_644 = arith.constant 0 : i32
    %dma_wait3A_645 = arith.constant 0 : i32
    %dma_wait3A_646 = tpu.memref_slice %arg1[%dma_wait3A_643, %dma_wait3A_633, %dma_wait3A_644, %dma_wait3A_645] : memref<16x9x128x128xf32, #tpu.memory_space<any>> -> memref<2x1x128x128xf32, #tpu.memory_space<any>>
    %dma_wait3A_647 = tpu.memref_squeeze %dma_wait3A_646 : memref<2x1x128x128xf32, #tpu.memory_space<any>> -> memref<2x128x128xf32, #tpu.memory_space<any>>
    tpu.wait_dma2 semaphore(%dma_wait3A_637 : memref<!tpu.dma_semaphore, #tpu.memory_space<semaphore_mem>>) src(%dma_wait3A_647 : memref<2x128x128xf32, #tpu.memory_space<any>>) dst(%dma_wait3A_642 : memref<2x128x128xf32, #tpu.memory_space<vmem>>)
    %dma_wait3A_648 = arith.constant 5 : i32
    %dma_wait3A_649 = arith.constant 1 : i32
    %dma_wait3A_650 = arith.constant 16 : i32
    %dma_wait3A_651 = tpu.memref_slice %arg4[%dma_wait3A_650] : memref<24x!tpu.dma_semaphore, #tpu.memory_space<semaphore_mem>> -> memref<1x!tpu.dma_semaphore, #tpu.memory_space<semaphore_mem>>
    %dma_wait3A_652 = tpu.memref_squeeze %dma_wait3A_651 : memref<1x!tpu.dma_semaphore, #tpu.memory_space<semaphore_mem>> -> memref<!tpu.dma_semaphore, #tpu.memory_space<semaphore_mem>>
    %dma_wait3A_653 = arith.constant 10 : i32
    %dma_wait3A_654 = arith.constant 0 : i32
    %dma_wait3A_655 = arith.constant 0 : i32
    %dma_wait3A_656 = tpu.memref_slice %arg3[%dma_wait3A_653, %dma_wait3A_649, %dma_wait3A_654, %dma_wait3A_655] : memref<16x3x128x128xf32, #tpu.memory_space<vmem>> -> memref<2x1x128x128xf32, #tpu.memory_space<vmem>>
    %dma_wait3A_657 = tpu.memref_squeeze %dma_wait3A_656 : memref<2x1x128x128xf32, #tpu.memory_space<vmem>> -> memref<2x128x128xf32, #tpu.memory_space<vmem>>
    %dma_wait3A_658 = arith.constant 10 : i32
    %dma_wait3A_659 = arith.constant 0 : i32
    %dma_wait3A_660 = arith.constant 0 : i32
    %dma_wait3A_661 = tpu.memref_slice %arg1[%dma_wait3A_658, %dma_wait3A_648, %dma_wait3A_659, %dma_wait3A_660] : memref<16x9x128x128xf32, #tpu.memory_space<any>> -> memref<2x1x128x128xf32, #tpu.memory_space<any>>
    %dma_wait3A_662 = tpu.memref_squeeze %dma_wait3A_661 : memref<2x1x128x128xf32, #tpu.memory_space<any>> -> memref<2x128x128xf32, #tpu.memory_space<any>>
    tpu.wait_dma2 semaphore(%dma_wait3A_652 : memref<!tpu.dma_semaphore, #tpu.memory_space<semaphore_mem>>) src(%dma_wait3A_662 : memref<2x128x128xf32, #tpu.memory_space<any>>) dst(%dma_wait3A_657 : memref<2x128x128xf32, #tpu.memory_space<vmem>>)
    %dma_wait3A_663 = arith.constant 8 : i32
    %dma_wait3A_664 = arith.constant 2 : i32
    %dma_wait3A_665 = arith.constant 17 : i32
    %dma_wait3A_666 = tpu.memref_slice %arg4[%dma_wait3A_665] : memref<24x!tpu.dma_semaphore, #tpu.memory_space<semaphore_mem>> -> memref<1x!tpu.dma_semaphore, #tpu.memory_space<semaphore_mem>>
    %dma_wait3A_667 = tpu.memref_squeeze %dma_wait3A_666 : memref<1x!tpu.dma_semaphore, #tpu.memory_space<semaphore_mem>> -> memref<!tpu.dma_semaphore, #tpu.memory_space<semaphore_mem>>
    %dma_wait3A_668 = arith.constant 10 : i32
    %dma_wait3A_669 = arith.constant 0 : i32
    %dma_wait3A_670 = arith.constant 0 : i32
    %dma_wait3A_671 = tpu.memref_slice %arg3[%dma_wait3A_668, %dma_wait3A_664, %dma_wait3A_669, %dma_wait3A_670] : memref<16x3x128x128xf32, #tpu.memory_space<vmem>> -> memref<2x1x128x128xf32, #tpu.memory_space<vmem>>
    %dma_wait3A_672 = tpu.memref_squeeze %dma_wait3A_671 : memref<2x1x128x128xf32, #tpu.memory_space<vmem>> -> memref<2x128x128xf32, #tpu.memory_space<vmem>>
    %dma_wait3A_673 = arith.constant 10 : i32
    %dma_wait3A_674 = arith.constant 0 : i32
    %dma_wait3A_675 = arith.constant 0 : i32
    %dma_wait3A_676 = tpu.memref_slice %arg1[%dma_wait3A_673, %dma_wait3A_663, %dma_wait3A_674, %dma_wait3A_675] : memref<16x9x128x128xf32, #tpu.memory_space<any>> -> memref<2x1x128x128xf32, #tpu.memory_space<any>>
    %dma_wait3A_677 = tpu.memref_squeeze %dma_wait3A_676 : memref<2x1x128x128xf32, #tpu.memory_space<any>> -> memref<2x128x128xf32, #tpu.memory_space<any>>
    tpu.wait_dma2 semaphore(%dma_wait3A_667 : memref<!tpu.dma_semaphore, #tpu.memory_space<semaphore_mem>>) src(%dma_wait3A_677 : memref<2x128x128xf32, #tpu.memory_space<any>>) dst(%dma_wait3A_672 : memref<2x128x128xf32, #tpu.memory_space<vmem>>)
    %get3A_678 = arith.constant 10 : index
    %get3A_679 = arith.constant 0 : index
    %get3A_680 = arith.constant 0 : index
    %get3A_681 = arith.constant 0 : index
    %get3A_682 = vector.load %arg3[%get3A_678, %get3A_679, %get3A_680, %get3A_681] : memref<16x3x128x128xf32, #tpu.memory_space<vmem>>, vector<2x3x128x128xf32>
    %exp3A_683 = math.exp %get3A_682 : vector<2x3x128x128xf32>
    %log1p3A_684 = math.log1p %exp3A_683 : vector<2x3x128x128xf32>
    %reshape3A_685 = vector.shape_cast %log1p3A_684 : vector<2x3x128x128xf32> to vector<96x8x128xf32>
    %reduce_sum3A_686 = arith.constant dense<0.000000e+00> : vector<8x128xf32>
    %reduce_sum3A_687 = vector.multi_reduction <add>, %reshape3A_685, %reduce_sum3A_686 [0] : vector<96x8x128xf32> to vector<8x128xf32>
    %add3A_688 = arith.addf %add3A_632, %reduce_sum3A_687 : vector<8x128xf32>
    %dma_wait3A_689 = arith.constant 2 : i32
    %dma_wait3A_690 = arith.constant 0 : i32
    %dma_wait3A_691 = arith.constant 18 : i32
    %dma_wait3A_692 = tpu.memref_slice %arg4[%dma_wait3A_691] : memref<24x!tpu.dma_semaphore, #tpu.memory_space<semaphore_mem>> -> memref<1x!tpu.dma_semaphore, #tpu.memory_space<semaphore_mem>>
    %dma_wait3A_693 = tpu.memref_squeeze %dma_wait3A_692 : memref<1x!tpu.dma_semaphore, #tpu.memory_space<semaphore_mem>> -> memref<!tpu.dma_semaphore, #tpu.memory_space<semaphore_mem>>
    %dma_wait3A_694 = arith.constant 12 : i32
    %dma_wait3A_695 = arith.constant 0 : i32
    %dma_wait3A_696 = arith.constant 0 : i32
    %dma_wait3A_697 = tpu.memref_slice %arg3[%dma_wait3A_694, %dma_wait3A_690, %dma_wait3A_695, %dma_wait3A_696] : memref<16x3x128x128xf32, #tpu.memory_space<vmem>> -> memref<2x1x128x128xf32, #tpu.memory_space<vmem>>
    %dma_wait3A_698 = tpu.memref_squeeze %dma_wait3A_697 : memref<2x1x128x128xf32, #tpu.memory_space<vmem>> -> memref<2x128x128xf32, #tpu.memory_space<vmem>>
    %dma_wait3A_699 = arith.constant 12 : i32
    %dma_wait3A_700 = arith.constant 0 : i32
    %dma_wait3A_701 = arith.constant 0 : i32
    %dma_wait3A_702 = tpu.memref_slice %arg1[%dma_wait3A_699, %dma_wait3A_689, %dma_wait3A_700, %dma_wait3A_701] : memref<16x9x128x128xf32, #tpu.memory_space<any>> -> memref<2x1x128x128xf32, #tpu.memory_space<any>>
    %dma_wait3A_703 = tpu.memref_squeeze %dma_wait3A_702 : memref<2x1x128x128xf32, #tpu.memory_space<any>> -> memref<2x128x128xf32, #tpu.memory_space<any>>
    tpu.wait_dma2 semaphore(%dma_wait3A_693 : memref<!tpu.dma_semaphore, #tpu.memory_space<semaphore_mem>>) src(%dma_wait3A_703 : memref<2x128x128xf32, #tpu.memory_space<any>>) dst(%dma_wait3A_698 : memref<2x128x128xf32, #tpu.memory_space<vmem>>)
    %dma_wait3A_704 = arith.constant 5 : i32
    %dma_wait3A_705 = arith.constant 1 : i32
    %dma_wait3A_706 = arith.constant 19 : i32
    %dma_wait3A_707 = tpu.memref_slice %arg4[%dma_wait3A_706] : memref<24x!tpu.dma_semaphore, #tpu.memory_space<semaphore_mem>> -> memref<1x!tpu.dma_semaphore, #tpu.memory_space<semaphore_mem>>
    %dma_wait3A_708 = tpu.memref_squeeze %dma_wait3A_707 : memref<1x!tpu.dma_semaphore, #tpu.memory_space<semaphore_mem>> -> memref<!tpu.dma_semaphore, #tpu.memory_space<semaphore_mem>>
    %dma_wait3A_709 = arith.constant 12 : i32
    %dma_wait3A_710 = arith.constant 0 : i32
    %dma_wait3A_711 = arith.constant 0 : i32
    %dma_wait3A_712 = tpu.memref_slice %arg3[%dma_wait3A_709, %dma_wait3A_705, %dma_wait3A_710, %dma_wait3A_711] : memref<16x3x128x128xf32, #tpu.memory_space<vmem>> -> memref<2x1x128x128xf32, #tpu.memory_space<vmem>>
    %dma_wait3A_713 = tpu.memref_squeeze %dma_wait3A_712 : memref<2x1x128x128xf32, #tpu.memory_space<vmem>> -> memref<2x128x128xf32, #tpu.memory_space<vmem>>
    %dma_wait3A_714 = arith.constant 12 : i32
    %dma_wait3A_715 = arith.constant 0 : i32
    %dma_wait3A_716 = arith.constant 0 : i32
    %dma_wait3A_717 = tpu.memref_slice %arg1[%dma_wait3A_714, %dma_wait3A_704, %dma_wait3A_715, %dma_wait3A_716] : memref<16x9x128x128xf32, #tpu.memory_space<any>> -> memref<2x1x128x128xf32, #tpu.memory_space<any>>
    %dma_wait3A_718 = tpu.memref_squeeze %dma_wait3A_717 : memref<2x1x128x128xf32, #tpu.memory_space<any>> -> memref<2x128x128xf32, #tpu.memory_space<any>>
    tpu.wait_dma2 semaphore(%dma_wait3A_708 : memref<!tpu.dma_semaphore, #tpu.memory_space<semaphore_mem>>) src(%dma_wait3A_718 : memref<2x128x128xf32, #tpu.memory_space<any>>) dst(%dma_wait3A_713 : memref<2x128x128xf32, #tpu.memory_space<vmem>>)
    %dma_wait3A_719 = arith.constant 8 : i32
    %dma_wait3A_720 = arith.constant 2 : i32
    %dma_wait3A_721 = arith.constant 20 : i32
    %dma_wait3A_722 = tpu.memref_slice %arg4[%dma_wait3A_721] : memref<24x!tpu.dma_semaphore, #tpu.memory_space<semaphore_mem>> -> memref<1x!tpu.dma_semaphore, #tpu.memory_space<semaphore_mem>>
    %dma_wait3A_723 = tpu.memref_squeeze %dma_wait3A_722 : memref<1x!tpu.dma_semaphore, #tpu.memory_space<semaphore_mem>> -> memref<!tpu.dma_semaphore, #tpu.memory_space<semaphore_mem>>
    %dma_wait3A_724 = arith.constant 12 : i32
    %dma_wait3A_725 = arith.constant 0 : i32
    %dma_wait3A_726 = arith.constant 0 : i32
    %dma_wait3A_727 = tpu.memref_slice %arg3[%dma_wait3A_724, %dma_wait3A_720, %dma_wait3A_725, %dma_wait3A_726] : memref<16x3x128x128xf32, #tpu.memory_space<vmem>> -> memref<2x1x128x128xf32, #tpu.memory_space<vmem>>
    %dma_wait3A_728 = tpu.memref_squeeze %dma_wait3A_727 : memref<2x1x128x128xf32, #tpu.memory_space<vmem>> -> memref<2x128x128xf32, #tpu.memory_space<vmem>>
    %dma_wait3A_729 = arith.constant 12 : i32
    %dma_wait3A_730 = arith.constant 0 : i32
    %dma_wait3A_731 = arith.constant 0 : i32
    %dma_wait3A_732 = tpu.memref_slice %arg1[%dma_wait3A_729, %dma_wait3A_719, %dma_wait3A_730, %dma_wait3A_731] : memref<16x9x128x128xf32, #tpu.memory_space<any>> -> memref<2x1x128x128xf32, #tpu.memory_space<any>>
    %dma_wait3A_733 = tpu.memref_squeeze %dma_wait3A_732 : memref<2x1x128x128xf32, #tpu.memory_space<any>> -> memref<2x128x128xf32, #tpu.memory_space<any>>
    tpu.wait_dma2 semaphore(%dma_wait3A_723 : memref<!tpu.dma_semaphore, #tpu.memory_space<semaphore_mem>>) src(%dma_wait3A_733 : memref<2x128x128xf32, #tpu.memory_space<any>>) dst(%dma_wait3A_728 : memref<2x128x128xf32, #tpu.memory_space<vmem>>)
    %get3A_734 = arith.constant 12 : index
    %get3A_735 = arith.constant 0 : index
    %get3A_736 = arith.constant 0 : index
    %get3A_737 = arith.constant 0 : index
    %get3A_738 = vector.load %arg3[%get3A_734, %get3A_735, %get3A_736, %get3A_737] : memref<16x3x128x128xf32, #tpu.memory_space<vmem>>, vector<2x3x128x128xf32>
    %exp3A_739 = math.exp %get3A_738 : vector<2x3x128x128xf32>
    %log1p3A_740 = math.log1p %exp3A_739 : vector<2x3x128x128xf32>
    %reshape3A_741 = vector.shape_cast %log1p3A_740 : vector<2x3x128x128xf32> to vector<96x8x128xf32>
    %reduce_sum3A_742 = arith.constant dense<0.000000e+00> : vector<8x128xf32>
    %reduce_sum3A_743 = vector.multi_reduction <add>, %reshape3A_741, %reduce_sum3A_742 [0] : vector<96x8x128xf32> to vector<8x128xf32>
    %add3A_744 = arith.addf %add3A_688, %reduce_sum3A_743 : vector<8x128xf32>
    %dma_wait3A_745 = arith.constant 2 : i32
    %dma_wait3A_746 = arith.constant 0 : i32
    %dma_wait3A_747 = arith.constant 21 : i32
    %dma_wait3A_748 = tpu.memref_slice %arg4[%dma_wait3A_747] : memref<24x!tpu.dma_semaphore, #tpu.memory_space<semaphore_mem>> -> memref<1x!tpu.dma_semaphore, #tpu.memory_space<semaphore_mem>>
    %dma_wait3A_749 = tpu.memref_squeeze %dma_wait3A_748 : memref<1x!tpu.dma_semaphore, #tpu.memory_space<semaphore_mem>> -> memref<!tpu.dma_semaphore, #tpu.memory_space<semaphore_mem>>
    %dma_wait3A_750 = arith.constant 14 : i32
    %dma_wait3A_751 = arith.constant 0 : i32
    %dma_wait3A_752 = arith.constant 0 : i32
    %dma_wait3A_753 = tpu.memref_slice %arg3[%dma_wait3A_750, %dma_wait3A_746, %dma_wait3A_751, %dma_wait3A_752] : memref<16x3x128x128xf32, #tpu.memory_space<vmem>> -> memref<2x1x128x128xf32, #tpu.memory_space<vmem>>
    %dma_wait3A_754 = tpu.memref_squeeze %dma_wait3A_753 : memref<2x1x128x128xf32, #tpu.memory_space<vmem>> -> memref<2x128x128xf32, #tpu.memory_space<vmem>>
    %dma_wait3A_755 = arith.constant 14 : i32
    %dma_wait3A_756 = arith.constant 0 : i32
    %dma_wait3A_757 = arith.constant 0 : i32
    %dma_wait3A_758 = tpu.memref_slice %arg1[%dma_wait3A_755, %dma_wait3A_745, %dma_wait3A_756, %dma_wait3A_757] : memref<16x9x128x128xf32, #tpu.memory_space<any>> -> memref<2x1x128x128xf32, #tpu.memory_space<any>>
    %dma_wait3A_759 = tpu.memref_squeeze %dma_wait3A_758 : memref<2x1x128x128xf32, #tpu.memory_space<any>> -> memref<2x128x128xf32, #tpu.memory_space<any>>
    tpu.wait_dma2 semaphore(%dma_wait3A_749 : memref<!tpu.dma_semaphore, #tpu.memory_space<semaphore_mem>>) src(%dma_wait3A_759 : memref<2x128x128xf32, #tpu.memory_space<any>>) dst(%dma_wait3A_754 : memref<2x128x128xf32, #tpu.memory_space<vmem>>)
    %dma_wait3A_760 = arith.constant 5 : i32
    %dma_wait3A_761 = arith.constant 1 : i32
    %dma_wait3A_762 = arith.constant 22 : i32
    %dma_wait3A_763 = tpu.memref_slice %arg4[%dma_wait3A_762] : memref<24x!tpu.dma_semaphore, #tpu.memory_space<semaphore_mem>> -> memref<1x!tpu.dma_semaphore, #tpu.memory_space<semaphore_mem>>
    %dma_wait3A_764 = tpu.memref_squeeze %dma_wait3A_763 : memref<1x!tpu.dma_semaphore, #tpu.memory_space<semaphore_mem>> -> memref<!tpu.dma_semaphore, #tpu.memory_space<semaphore_mem>>
    %dma_wait3A_765 = arith.constant 14 : i32
    %dma_wait3A_766 = arith.constant 0 : i32
    %dma_wait3A_767 = arith.constant 0 : i32
    %dma_wait3A_768 = tpu.memref_slice %arg3[%dma_wait3A_765, %dma_wait3A_761, %dma_wait3A_766, %dma_wait3A_767] : memref<16x3x128x128xf32, #tpu.memory_space<vmem>> -> memref<2x1x128x128xf32, #tpu.memory_space<vmem>>
    %dma_wait3A_769 = tpu.memref_squeeze %dma_wait3A_768 : memref<2x1x128x128xf32, #tpu.memory_space<vmem>> -> memref<2x128x128xf32, #tpu.memory_space<vmem>>
    %dma_wait3A_770 = arith.constant 14 : i32
    %dma_wait3A_771 = arith.constant 0 : i32
    %dma_wait3A_772 = arith.constant 0 : i32
    %dma_wait3A_773 = tpu.memref_slice %arg1[%dma_wait3A_770, %dma_wait3A_760, %dma_wait3A_771, %dma_wait3A_772] : memref<16x9x128x128xf32, #tpu.memory_space<any>> -> memref<2x1x128x128xf32, #tpu.memory_space<any>>
    %dma_wait3A_774 = tpu.memref_squeeze %dma_wait3A_773 : memref<2x1x128x128xf32, #tpu.memory_space<any>> -> memref<2x128x128xf32, #tpu.memory_space<any>>
    tpu.wait_dma2 semaphore(%dma_wait3A_764 : memref<!tpu.dma_semaphore, #tpu.memory_space<semaphore_mem>>) src(%dma_wait3A_774 : memref<2x128x128xf32, #tpu.memory_space<any>>) dst(%dma_wait3A_769 : memref<2x128x128xf32, #tpu.memory_space<vmem>>)
    %dma_wait3A_775 = arith.constant 8 : i32
    %dma_wait3A_776 = arith.constant 2 : i32
    %dma_wait3A_777 = arith.constant 23 : i32
    %dma_wait3A_778 = tpu.memref_slice %arg4[%dma_wait3A_777] : memref<24x!tpu.dma_semaphore, #tpu.memory_space<semaphore_mem>> -> memref<1x!tpu.dma_semaphore, #tpu.memory_space<semaphore_mem>>
    %dma_wait3A_779 = tpu.memref_squeeze %dma_wait3A_778 : memref<1x!tpu.dma_semaphore, #tpu.memory_space<semaphore_mem>> -> memref<!tpu.dma_semaphore, #tpu.memory_space<semaphore_mem>>
    %dma_wait3A_780 = arith.constant 14 : i32
    %dma_wait3A_781 = arith.constant 0 : i32
    %dma_wait3A_782 = arith.constant 0 : i32
    %dma_wait3A_783 = tpu.memref_slice %arg3[%dma_wait3A_780, %dma_wait3A_776, %dma_wait3A_781, %dma_wait3A_782] : memref<16x3x128x128xf32, #tpu.memory_space<vmem>> -> memref<2x1x128x128xf32, #tpu.memory_space<vmem>>
    %dma_wait3A_784 = tpu.memref_squeeze %dma_wait3A_783 : memref<2x1x128x128xf32, #tpu.memory_space<vmem>> -> memref<2x128x128xf32, #tpu.memory_space<vmem>>
    %dma_wait3A_785 = arith.constant 14 : i32
    %dma_wait3A_786 = arith.constant 0 : i32
    %dma_wait3A_787 = arith.constant 0 : i32
    %dma_wait3A_788 = tpu.memref_slice %arg1[%dma_wait3A_785, %dma_wait3A_775, %dma_wait3A_786, %dma_wait3A_787] : memref<16x9x128x128xf32, #tpu.memory_space<any>> -> memref<2x1x128x128xf32, #tpu.memory_space<any>>
    %dma_wait3A_789 = tpu.memref_squeeze %dma_wait3A_788 : memref<2x1x128x128xf32, #tpu.memory_space<any>> -> memref<2x128x128xf32, #tpu.memory_space<any>>
    tpu.wait_dma2 semaphore(%dma_wait3A_779 : memref<!tpu.dma_semaphore, #tpu.memory_space<semaphore_mem>>) src(%dma_wait3A_789 : memref<2x128x128xf32, #tpu.memory_space<any>>) dst(%dma_wait3A_784 : memref<2x128x128xf32, #tpu.memory_space<vmem>>)
    %get3A_790 = arith.constant 14 : index
    %get3A_791 = arith.constant 0 : index
    %get3A_792 = arith.constant 0 : index
    %get3A_793 = arith.constant 0 : index
    %get3A_794 = vector.load %arg3[%get3A_790, %get3A_791, %get3A_792, %get3A_793] : memref<16x3x128x128xf32, #tpu.memory_space<vmem>>, vector<2x3x128x128xf32>
    %exp3A_795 = math.exp %get3A_794 : vector<2x3x128x128xf32>
    %log1p3A_796 = math.log1p %exp3A_795 : vector<2x3x128x128xf32>
    %reshape3A_797 = vector.shape_cast %log1p3A_796 : vector<2x3x128x128xf32> to vector<96x8x128xf32>
    %reduce_sum3A_798 = arith.constant dense<0.000000e+00> : vector<8x128xf32>
    %reduce_sum3A_799 = vector.multi_reduction <add>, %reshape3A_797, %reduce_sum3A_798 [0] : vector<96x8x128xf32> to vector<8x128xf32>
    %add3A_800 = arith.addf %add3A_744, %reduce_sum3A_799 : vector<8x128xf32>
    %reduce_sum3A_801 = vector.shape_cast %add3A_800 : vector<8x128xf32> to vector<1x8x128xf32>
    %reduce_sum3A_802 = arith.constant dense<0.000000e+00> : vector<1xf32>
    %reduce_sum3A_803 = vector.multi_reduction <add>, %reduce_sum3A_801, %reduce_sum3A_802 [1, 2] : vector<1x8x128xf32> to vector<1xf32>
    %reduce_sum3A_804 = vector.shape_cast %reduce_sum3A_803 : vector<1xf32> to vector<1x1x1xf32>
    %reduce_sum3A_805 = vector.extract %reduce_sum3A_804[0, 0, 0] : f32 from vector<1x1x1xf32>
    %mul3A = arith.constant 2.500000e+00 : f32
    %mul3A_806 = arith.mulf %mul3A, %reduce_sum3A_805 : f32
    %div3A = arith.constant 7.864320e+05 : f32
    %div3A_807 = arith.divf %mul3A_806, %div3A : f32
    %swap3A = arith.constant 0 : index
    %swap3A_808 = arith.constant 0 : index
    %swap3A_809 = memref.load %arg2[%swap3A, %swap3A_808] : memref<1x1xf32, #tpu.memory_space<smem>>
    memref.store %div3A_807, %arg2[%swap3A, %swap3A_808] : memref<1x1xf32, #tpu.memory_space<smem>>
    return
  }
  func.func @transform_1(%arg0: i32) -> (i32, i32) {
    %c0_i32 = arith.constant 0 : i32
    %c0_i32_0 = arith.constant 0 : i32
    %c0_i32_1 = arith.constant 0 : i32
    return %c0_i32, %c0_i32_0 : i32, i32
  }
}

</mosaic_0001>

<sc_bundles>
// kernel: kernel.4.cloned.1.call-start
scs
__scs_entry_jumppad:
0x0: {  	(pc) =	sbr.rel $0x88, $3  }
0x1: {  	(tag) =	ssettag $0x0;
	lr =	simm.s32 $0x1  }
0x2: {  	[smem:$0x3F9F] =	sst lr;
	_ =	strace $0xD0000000  }
0x3: {  	_ = 	snop  }
0x4: {  	_ = 	snop  }
0x5: {  	_ = 	snop  }
0x6: {  	_ = 	snop  }
0x7: {  	_ = 	snop  }
__scs_overlays_trampoline_lowered:
0x8: {  	[smem:$0x3FAE] =	sst s0  }
0x9: {  	[smem:$0x3FAF] =	sst s1  }
0xa: {  	[smem:$0x3FB0] =	sst s2  }
0xb: {  	[smem:$0x3FB1] =	sst s3  }
0xc: {  	[smem:$0x3FB2] =	sst s4  }
0xd: {  	[smem:$0x3FB3] =	sst s5  }
0xe: {  	[smem:$0x3FB4] =	sst s6  }
0xf: {  	[smem:$0x3FB5] =	sst s7  }
0x10: {  	[smem:$0x3FB6] =	sst s8  }
0x11: {  	[smem:$0x3FB7] =	sst s9;
	s0 =	simm.s32 @!p0 $0x0  }
0x12: {  	s1 =	sld [smem:$0x3F9D];
	s0 =	simm.s32 @p0 $0x1  }
0x13: {  	[smem:$0x3FB8] =	sst s0;
	s0 =	simm.s32 @!p1 $0x0  }
0x14: {  	s2 =	sld [smem:$0x3F9C];
	s0 =	simm.s32 @p1 $0x1  }
0x15: {  	[smem:$0x3FB9] =	sst s0;
	s0 =	simm.s32 @!p2 $0x0  }
0x16: {  	s3 =	sld [smem:$0x3FDB];
	s0 =	simm.s32 @p2 $0x1  }
0x17: {  	s4 =	simm.s32 $0x1BF5;
	[smem:$0x3FBB] =	sst s0  }
0x18: {  	s0 =	sld [smem:$0x3F9E];
	_ =	swait.ge [sflag:s4], $0x0  }
0x19: {  	s7 =	sld [smem:$0x3F9F]  }
0x1a: {  	s8 =	sadd.s32 $0xFFFFE003, lr  }
0x1b: {  	s9 =	sadd.s32 $0xFFFFFEF7, lr;
	s5 =	simm.s32 $0xFFFFFFFF;
	p2 =	slt.u32 s8, $0xFFFFF086  }
0x1c: {  	p1 =	slt.u32 s9, $0xF7A;
	s5 =	simm.s32 @!p2 $0x0  }
0x1d: {  	s5 =	simm.s32 @p1 $0x1;
	p0 =	seq.s32 s7, s2  }
0x1e: {  	s7 =	smul.u32 @!p0 $0xF7A, s2;
	p2 =	seq.s32 @!p0 s5, $0x0  }
0x1f: {  	s9 =	smul.u32 $0xF7A, s1;
	s8 =	simm.s32 @!p0 $0x1BF5;
	p2 =	por !p2, p0  }
0x20: {  	[sflag:s8] =	ssyncset.s32 @!p0 $0xFFFFF086;
	s6 =	sadd.s32 @!p0 s3, s7;
	s7 =	simm.s32 @!p0 $0x108  }
0x21: {  	s3 =	sadd.s32 s3, s9;
	s6 =	sadd.s32 @!p0 $0x88, s6;
	s7 =	simm.s32 @p2 $0x1082  }
0x22: {  	[simem:s7], [sflag:s8] =	dma.local @!p0 [hbm:s6], $0xF7A  }
0x23: {  	s9 =	sor.u32 $0xD0000000, s2;
	s6 =	simm.s32 $0x108;
	_ =	swait.ge @!p0 [sflag:s8], $0x0  }
0x24: {  	s3 =	sadd.s32 $0x88, s3;
	s6 =	simm.s32 @!p1 $0x1082;
	[sflag:s4] =	ssyncset.s32 $0xFFFFF086  }
0x25: {  	[simem:s6], [sflag:s4] =	dma.local [hbm:s3], $0xF7A  }
0x26: {  	[smem:$0x3F9F] =	sst s1;
	(tag) =	ssettag s2;
	_ =	strace s9  }
0x27: {  	s1 =	sld [smem:$0x3FAF]  }
0x28: {  	s2 =	sld [smem:$0x3FB0]  }
0x29: {  	s4 =	sld [smem:$0x3FB2]  }
0x2a: {  	p0 =	seq.s32 s5, $0x0;
	s5 =	sld [smem:$0x3FB3]  }
0x2b: {  	s6 =	sld [smem:$0x3FB4]  }
0x2c: {  	s7 =	sld [smem:$0x3FB5]  }
0x2d: {  	s3 =	simm.s32 $0x108;
	s8 =	sld [smem:$0x3FB6]  }
0x2e: {  	s3 =	simm.s32 @!p0 $0x1082;
	s9 =	sld [smem:$0x3FB7]  }
0x2f: {  	lr =	sadd.s32 s0, s3;
	s0 =	sld [smem:$0x3FAE]  }
0x30: {  	s3 =	sld [smem:$0x3FB1]  }
0x31: {  	[smem:$0x3FBA] =	sst s10  }
0x32: {  	s10 =	sld [smem:$0x3FB8];
	_ =	sdelay $0x3  }
0x33: {  	p0 =	seq.s32 s10, $0x1;
	s10 =	sld [smem:$0x3FBA];
	_ =	sdelay $0x3  }
0x34: {  	[smem:$0x3FBA] =	sst s10  }
0x35: {  	s10 =	sld [smem:$0x3FB9];
	_ =	sdelay $0x3  }
0x36: {  	p1 =	seq.s32 s10, $0x1;
	s10 =	sld [smem:$0x3FBA];
	_ =	sdelay $0x3  }
0x37: {  	[smem:$0x3FBA] =	sst s10  }
0x38: {  	s10 =	sld [smem:$0x3FBB]  }
0x39: {  	_ = 	snop;
	(pc) =	sbr.ind lr, $3  }
0x3a: {  	_ = 	snop  }
0x3b: {  	_ = 	snop  }
0x3c: {  	p2 =	seq.s32 s10, $0x1;
	s10 =	sld [smem:$0x3FBA]  }
0x3d: {  	_ =	shalt  }
0x3e: {  	_ =	shalt  }
0x3f: {  	_ =	shalt  }
0x40: {  	_ =	shalt  }
0x41: {  	_ =	shalt  }
0x42: {  	_ =	shalt  }
0x43: {  	_ =	shalt  }
0x44: {  	_ =	shalt  }
0x45: {  	_ =	shalt  }
0x46: {  	_ =	shalt  }
0x47: {  	_ =	shalt  }
0x48: {  	_ =	shalt  }
0x49: {  	_ =	shalt  }
0x4a: {  	_ =	shalt  }
0x4b: {  	_ =	shalt  }
0x4c: {  	_ =	shalt  }
0x4d: {  	_ =	shalt  }
0x4e: {  	_ =	shalt  }
0x4f: {  	_ =	shalt  }
0x50: {  	_ =	shalt  }
0x51: {  	_ =	shalt  }
0x52: {  	_ =	shalt  }
0x53: {  	_ =	shalt  }
0x54: {  	_ =	shalt  }
0x55: {  	_ =	shalt  }
0x56: {  	_ =	shalt  }
0x57: {  	_ =	shalt  }
0x58: {  	_ =	shalt  }
0x59: {  	_ =	shalt  }
0x5a: {  	_ =	shalt  }
0x5b: {  	_ =	shalt  }
0x5c: {  	_ =	shalt  }
0x5d: {  	_ =	shalt  }
0x5e: {  	_ =	shalt  }
0x5f: {  	_ =	shalt  }
0x60: {  	_ =	shalt  }
0x61: {  	_ =	shalt  }
0x62: {  	_ =	shalt  }
0x63: {  	_ =	shalt  }
0x64: {  	_ =	shalt  }
0x65: {  	_ =	shalt  }
0x66: {  	_ =	shalt  }
0x67: {  	_ =	shalt  }
0x68: {  	_ =	shalt  }
0x69: {  	_ =	shalt  }
0x6a: {  	_ =	shalt  }
0x6b: {  	_ =	shalt  }
0x6c: {  	_ =	shalt  }
0x6d: {  	_ =	shalt  }
0x6e: {  	_ =	shalt  }
0x6f: {  	_ =	shalt  }
0x70: {  	_ =	shalt  }
0x71: {  	_ =	shalt  }
0x72: {  	_ =	shalt  }
0x73: {  	_ =	shalt  }
0x74: {  	_ =	shalt  }
0x75: {  	_ =	shalt  }
0x76: {  	_ =	shalt  }
0x77: {  	_ =	shalt  }
0x78: {  	_ =	shalt  }
0x79: {  	_ =	shalt  }
0x7a: {  	_ =	shalt  }
0x7b: {  	_ =	shalt  }
0x7c: {  	_ =	shalt  }
0x7d: {  	_ =	shalt  }
0x7e: {  	_ =	shalt  }
0x7f: {  	_ =	shalt  }
0x80: {  	_ =	shalt  }
0x81: {  	_ =	shalt  }
0x82: {  	_ =	shalt  }
0x83: {  	_ =	shalt  }
0x84: {  	_ =	shalt  }
0x85: {  	_ =	shalt  }
0x86: {  	_ =	shalt  }
0x87: {  	_ =	shalt  }
.Lfunc_end0:
.L_simem_size_0:
called_computation_lowered:
.L_overlay_start_0:
0x88: {  	s2 =	sld [smem:$0x3FD9]  }
0x89: {  	s3 =	sld [smem:$0x3FFE];
	_ =	sdelay $0x1  }
0x8a: {  	s1 =	srdreg.scid  }
0x8b: {  	s0 =	sand.u32 $0x1, s1  }
0x8c: {  	s17 =	sshll.u32 s0, $0xA;
	s2 =	sadd.s32 s3, s2  }
0x8d: {  	s2 =	sadd.s32 s2, s17  }
0x8e: {  	[smem:$0x3FC6] =	sst s2  }
0x8f: {  	_ = 	snop  }
0x90: {  	s2 =	sld [smem:$0x3FC9];
	(tm) =	ssettm $0x1  }
0x91: {  	s18 =	sld [smem:$0x3FFB];
	_ =	sdelay $0x3  }
0x92: {  	_ =	strace s18  }
0x93: {  	s3 =	sld [smem:$0x3FFC];
	_ =	sdelay $0x3  }
0x94: {  	_ =	strace s3  }
0x95: {  	s3 =	sld [smem:$0x3FFD];
	_ =	sdelay $0x3  }
0x96: {  	_ =	strace s3  }
0x97: {  	_ =	strace $0x8FFFFFFF  }
0x98: {  	s19 =	sld [smem:$0x3FDB];
	_ =	sdelay $0x1  }
0x99: {  	s4 =	simm.s32 $_scs_section_size  }
0x9a: {  	s5 =	simm.s32 $_size__tile_overlayer_lowered;
	s6 =	simm.s32 $_tile_overlayer_lowered  }
0x9b: {  	s22 =	simm.s32 $0x1BFF;
	s21 =	sshll.u32 s6, $0x1;
	s3 =	sadd.s32 s4, s19  }
0x9c: {  	s7 =	simm.s32 $0x0;
	s20 =	sshll.u32 s5, $0x1;
	s5 =	sadd.s32 s21, s3  }
0x9d: {  	[timem:s7], [sflag:s22] =	dma.local [hbm:s5], s20  }
0x9e: {  	_ =	swait.ge [sflag:s22], s20  }
0x9f: {  	s4 =	ssub.s32 $0x0, s20;
	[sflag:s22] =	ssyncset.done $0x0  }
0xa0: {  	[sflag:s22] =	ssyncadd.s32 s4;
	_ =	sdelay $0x1  }
0xa1: {  	s23 =	simm.s32 $0x1B8B  }
0xa2: {  	_ =	swait.ge [sflag:s23], $0x1  }
0xa3: {  	[sflag:s23] =	ssyncset.done $0x0  }
0xa4: {  	s25 =	simm.s32 $0x1B8E;
	s24 =	sld [smem:$0x3FFE];
	[sflag:s23] =	ssyncadd.s32 $0xFFFFFFFF  }
0xa5: {  	s26 =	simm.s32 $execute0_lowered;
	[smem:$0x3FD2] =	sst s25  }
0xa6: {  	s5 =	sshll.u32 s26, $0x1;
	_ =	strace $0x80000046;
	[dreg:$0x1] =	wrdreg $0xFFFFFFFF  }
0xa7: {  	s28 =	simm.s32 $_size_execute0_lowered;
	s3 =	sadd.s32 s3, s5;
	[dreg:$0x0] =	wrdreg $0x0  }
0xa8: {  	s5 =	sshll.u32 s28, $0x1;
	[dreg:$0x2] =	wrdreg s3  }
0xa9: {  	[dreg:$0x3] =	wrdreg s5  }
0xaa: {  	[dreg:$0x4] =	wrdreg $0xC0  }
0xab: {  	_ =	task [dreg:s7], $0x5FFFF  }
0xac: {  	[dreg:$0x1] =	wrdreg $0xFFFFFFFF  }
0xad: {  	[dreg:$0x0] =	wrdreg $0x60  }
0xae: {  	[dreg:$0x2] =	wrdreg s24  }
0xaf: {  	[dreg:$0x3] =	wrdreg s2  }
0xb0: {  	[dreg:$0x4] =	wrdreg $0x9  }
0xb1: {  	_ =	task.clear_ibuf [dreg:s7], $0x5FFFF;
	_ =	strace $0x90000046  }
0xb2: {  	s29 =	simm.s32 $0x9;
	_ =	strace $0x80000048  }
0xb3: {  	_ =	swait.ge [sflag:s29], $0x1  }
0xb4: {  	[sflag:s29] =	ssyncadd.s32 $0xFFFFFFFF  }
0xb5: {  	_ =	strace $0x90000048  }
0xb6: {  	_ =	sfence  }
0xb7: {  	s30 =	sld [smem:$0x0];
	_ =	sdelay $0x2  }
0xb8: {  	s31 =	sshll.u32 s1, $0xD;
	s1 =	sshrl.u32 s1, $0x2  }
0xb9: {  	s3 =	sand.u32 $0x4000, s31;
	s1 =	sadd.s32 s1, s30  }
0xba: {  	s0 =	sor.u32 s3, s0;
	s1 =	sshll.u32 s1, $0x11  }
0xbb: {  	s0 =	sor.u32 s1, s0  }
0xbc: {  	s0 =	sadd.s32 $0x8F2B, s0  }
0xbd: {  	[sflag:s0] =	ssyncadd.remote.s32 $0x1  }
0xbe: {  	_ =	sfence.sel $0xFFFF  }
0xbf: {  	[dreg:$0x0] =	wrdreg $0xFFFFFFFF;
	(pc) =	sbr.abs _section_cstart, $3  }
0xc0: {  	[dreg:$0x1] =	wrdreg $0xFFFFFFFF  }
0xc1: {  	_ =	task.clear_ibuf [dreg:s7], $0x2FFFF;
	_ =	strace $0x9FFFFFFF  }
0xc2: {  	(tm) =	ssettm $0x7FFFFFFF  }
0xc3: {  	_ =	shalt  }
tec
execute0_lowered:
.L_overlay_start_1:
0x0: {  	(tag) =	ssettag $0x1  }
0x1: {  	s0 =	srdreg.scid  }
0x2: {  	s3 =	sand.u32 $0x1, s0;
	s0 =	stileid.u32  }
0x3: {  	s5 =	sor.u32 s0, s3  }
0x4: {  	p0 =	sne.s32 s5, $0x0  }
.Ltmp0:
0x5: {  	_ = 	snop;
	(pc) =	sbr.rel @p0 .LBB2_3-.Ltmp0, $4  }
0x6: {  	_ = 	snop  }
0x7: {  	s4 =	rddreg [dreg:$0x0]  }
0x8: {  	s2 =	rddreg [dreg:$0x1]  }
0x9: {  	s1 =	rddreg [dreg:$0x2];
	_ =	strace $0x80000047  }
0xa: {  	s5 =	ssub.s32 $0x2, s3;
	s3 =	sadd.s32 $0x200, s4;
	s4 =	sadd.s32 $0x400, s4  }
0xb: {  	s7 =	simm.s32 $0x2;
	s8 =	simm.s32 $0x50;
	s9 =	simm.s32 $0x400  }
0xc: {  	v1 =	vlaneseq.u32;
	s10 =	simm.s32 $0x480;
	s11 =	simm.s32 $0x1;
	s6 =	sshrl.u32 s5, $0x1  }
0xd: {  	v0 =	vimm.s32 $0x0;
	s12 =	simm.s32 $0x500;
	v1 =	vmul.u32 $0x24000, v1;
	s5 =	ssub.s32 s5, s6;
	s6 =	simm.s32 $0x0  }
.LBB2_2:
0xe: {  	[tilespmem:s6], [sflag:$0x2] =	stream.linear.gather [hbm4b:s3+s6], $0x280, $0x38;
	[tilespmem:$0x580] =	vst v63  }
0xf: {  	_ =	swait.ge [sflag:s7], $0x280  }
0x10: {  	[sflag:s7] =	ssyncset.done $0x0  }
0x11: {  	[sflag:s7] =	ssyncadd.s32 $0xFFFFFD80  }
0x12: {  	v2 =	vld [tilespmem:$0x180]  }
0x13: {  	v3 =	vld [tilespmem:$0x200];
	_ =	sdelay $0x3  }
0x14: {  	v2 =	vmul.f32 $1.280000000e+02, v2  }
0x15: {  	v3 =	vmul.f32 $1.280000000e+02, v3  }
0x16: {  	v4 =	vclamp.gez.f32 v2, $2.900000000e+01  }
0x17: {  	v5 =	vclamp.gez.f32 v3, $2.250000000e+01;
	v6 =	vmul.f32 v3, v2  }
0x18: {  	v7 =	vclamp.gez.f32 v2, $3.900000000e+01;
	v8 =	vclamp.gez.f32 v3, $4.950000000e+01  }
0x19: {  	v2 =	vclamp.gez.f32 v2, $9.325000000e+01;
	v4 =	vmul.f32 v5, v4;
	v58 =	vadd.f32 $6.525000000e+02, v6  }
0x1a: {  	v3 =	vclamp.gez.f32 v3, $8.150000000e+01;
	v8 =	vmul.f32 v8, v7;
	v59 =	vadd.f32 $1.930500000e+03, v6  }
0x1b: {  	v2 =	vmul.f32 v3, v2;
	v3 =	vadd.f32 $7.599875000e+03, v6;
	v5 =	vsub.f32 v58, v4  }
0x1c: {  	v60 =	vsub.f32 v59, v8  }
0x1d: {  	v3 =	vsub.f32 v3, v2;
	v5 =	vadd.f32 $1.000000020e-16, v5  }
0x1e: {  	v6 =	vadd.f32 $1.000000020e-16, v60  }
0x1f: {  	v3 =	vadd.f32 $1.000000020e-16, v3;
	(erf) = vrcp.f32 v5  }
0x20: {  	(erf) = vrcp.f32 v6  }
0x21: {  	v61 =	vld [tilespmem:$0x100];
	(erf) = vrcp.f32 v3;
	_ =	sdelay $0x2  }
0x22: {  	v3 =	vld [tilespmem:$0x80];
	_ =	sdelay $0x1  }
0x23: {  	v5 =	vmul.f32 $1.280000000e+02, v61;
	_ =	sdelay $0x1  }
0x24: {  	v62 =	vtrunc.f32 v5;
	v9 =	vpop (erf)  }
0x25: {  	v6 =	vcvt.f32.s32 v62;
	v63 =	vmul.f32 $1.280000000e+02, v3;
	v3 =	vpop (erf)  }
0x26: {  	v12 =	vmul.f32 v9, v4;
	v3 =	vmul.f32 v3, v8;
	v29 =	vpop (erf)  }
0x27: {  	v30 =	vtrunc.f32 v63;
	v2 =	vmul.f32 v29, v2  }
0x28: {  	v32 =	vshll.u32 v6, $0x7;
	v13 =	vcvt.f32.s32 v30;
	v31 =	vmax.f32 v12, v3  }
0x29: {  	v33 =	vadd.s32 v1, v32;
	vm1 =	vgt.f32 v3, v12;
	vm0 =	vgt.f32 v2, v31  }
0x2a: {  	v4 =	vadd.s32 v13, v33;
	v34 =	vsel vm1, $0x1, v0;
	vm0 =	vmneg vm0  }
0x2b: {  	v35 =	vadd.s32 $0x8000, v4;
	v8 =	vnsel vm0, $0x2, v34  }
0x2c: {  	v36 =	vadd.s32 $0x14000, v4;
	[tilespmem:$0x400] =	vst v35;
	v10 =	vmul.u32 $0xC000, v8  }
0x2d: {  	v37 =	vadd.s32 $0x20000, v4;
	[tilespmem:$0x410] =	vst v36  }
0x2e: {  	[tilespmem:$0x420] =	vst v37;
	v4 =	vadd.s32 v4, v10  }
0x2f: {  	[tilespmem:$0x430] =	vst v4;
	v4 =	vadd.s32 $0x4000, v4  }
0x30: {  	[tilespmem:$0x440] =	vst v4  }
0x31: {  	[tilespmem:s10], [sflag:$0x1] =	stream.indirect.gather [hbm4b:s2+s8], $0x1, s9, s8, $0xb8;
	[tilespmem:$0x580] =	vst v63  }
0x32: {  	_ =	swait.ge [sflag:s11], $0x50  }
0x33: {  	[sflag:s11] =	ssyncset.done $0x0  }
0x34: {  	[sflag:s11] =	ssyncadd.s32 $0xFFFFFFB0  }
0x35: {  	v38 =	vld [tilespmem:$0x480];
	_ =	sdelay $0x4  }
0x36: {  	v39 =	vmul.f32 $1.442695020e+00, v38;
	_ =	sdelay $0x1  }
0x37: {  	(erf) = vpow2.f32 v39;
	_ =	sdelay $0x8  }
0x38: {  	v9 =	vpop (erf)  }
0x39: {  	v15 =	vadd.f32 $1.000000000e+00, v9;
	_ =	sdelay $0x1  }
0x3a: {  	v9 =	vand.u32 $0x7FFFFF, v15  }
0x3b: {  	v4 =	vsub.f32 $0.0e+00, v38;
	v11 =	vor.u32 $0x3F800000, v9  }
0x3c: {  	v9 =	vadd.f32 $1.000000000e+00, v11  }
0x3d: {  	v4 =	vmul.f32 $1.442695020e+00, v4  }
0x3e: {  	(erf) = vrcp.f32 v9  }
0x3f: {  	(erf) = vpow2.f32 v4;
	_ =	sdelay $0x7  }
0x40: {  	v16 =	vpop (erf)  }
0x41: {  	v4 =	vpop (erf)  }
0x42: {  	v40 =	vld [tilespmem:$0x490];
	v17 =	vadd.f32 $1.000000000e+00, v4;
	_ =	sdelay $0x1  }
0x43: {  	v4 =	vand.u32 $0x7FFFFF, v17  }
0x44: {  	v18 =	vor.u32 $0x3F800000, v4  }
0x45: {  	v4 =	vadd.f32 $1.000000000e+00, v18  }
0x46: {  	v41 =	vmul.f32 $1.442695020e+00, v40  }
0x47: {  	(erf) = vrcp.f32 v4  }
0x48: {  	(erf) = vpow2.f32 v41;
	_ =	sdelay $0x7  }
0x49: {  	v19 =	vpop (erf)  }
0x4a: {  	v42 =	vpop (erf)  }
0x4b: {  	v20 =	vadd.f32 $1.000000000e+00, v42;
	_ =	sdelay $0x1  }
0x4c: {  	v4 =	vand.u32 $0x7FFFFF, v20  }
0x4d: {  	v43 =	vsub.f32 $0.0e+00, v40;
	v21 =	vor.u32 $0x3F800000, v4  }
0x4e: {  	v44 =	vadd.f32 $1.000000000e+00, v21  }
0x4f: {  	v4 =	vmul.f32 $1.442695020e+00, v43  }
0x50: {  	(erf) = vrcp.f32 v44  }
0x51: {  	(erf) = vpow2.f32 v4;
	_ =	sdelay $0x7  }
0x52: {  	v22 =	vpop (erf)  }
0x53: {  	v4 =	vpop (erf)  }
0x54: {  	v45 =	vld [tilespmem:$0x4A0];
	v14 =	vadd.f32 $1.000000000e+00, v4;
	_ =	sdelay $0x1  }
0x55: {  	v4 =	vand.u32 $0x7FFFFF, v14  }
0x56: {  	v23 =	vor.u32 $0x3F800000, v4  }
0x57: {  	v4 =	vadd.f32 $1.000000000e+00, v23  }
0x58: {  	v46 =	vmul.f32 $1.442695020e+00, v45  }
0x59: {  	(erf) = vrcp.f32 v4  }
0x5a: {  	(erf) = vpow2.f32 v46;
	_ =	sdelay $0x7  }
0x5b: {  	v24 =	vpop (erf)  }
0x5c: {  	v47 =	vpop (erf)  }
0x5d: {  	v9 =	vadd.f32 $1.000000000e+00, v47;
	_ =	sdelay $0x1  }
0x5e: {  	v4 =	vand.u32 $0x7FFFFF, v9  }
0x5f: {  	v48 =	vsub.f32 $0.0e+00, v45;
	v25 =	vor.u32 $0x3F800000, v4  }
0x60: {  	v49 =	vadd.f32 $1.000000000e+00, v25  }
0x61: {  	v4 =	vmul.f32 $1.442695020e+00, v48  }
0x62: {  	(erf) = vrcp.f32 v49  }
0x63: {  	(erf) = vpow2.f32 v4;
	_ =	sdelay $0x7  }
0x64: {  	v26 =	vld [tilespmem:$0x4B0];
	v27 =	vpop (erf)  }
0x65: {  	v4 =	vpop (erf)  }
0x66: {  	v4 =	vadd.f32 $1.000000000e+00, v4;
	_ =	sdelay $0x1  }
0x67: {  	v50 =	vand.u32 $0x7FFFFF, v4  }
0x68: {  	v51 =	vsub.f32 $0.0e+00, v26;
	v28 =	vor.u32 $0x3F800000, v50  }
0x69: {  	v29 =	vadd.f32 $1.000000000e+00, v28  }
0x6a: {  	v10 =	vmul.f32 $1.442695020e+00, v51  }
0x6b: {  	(erf) = vrcp.f32 v29  }
0x6c: {  	(erf) = vpow2.f32 v10;
	_ =	sdelay $0x7  }
0x6d: {  	v29 =	vpop (erf)  }
0x6e: {  	v10 =	vpop (erf)  }
0x6f: {  	v10 =	vadd.f32 $1.000000000e+00, v10;
	_ =	sdelay $0x1  }
0x70: {  	v30 =	vand.u32 $0x7FFFFF, v10  }
0x71: {  	v30 =	vor.u32 $0x3F800000, v30  }
0x72: {  	v31 =	vadd.f32 $1.000000000e+00, v30  }
0x73: {  	v26 =	vmul.f32 $1.442695020e+00, v26  }
0x74: {  	(erf) = vrcp.f32 v31  }
0x75: {  	v11 =	vadd.f32 $-1.000000000e+00, v11;
	(erf) = vpow2.f32 v26;
	_ =	sdelay $0x1  }
0x76: {  	v16 =	vmul.f32 v16, v11;
	_ =	sdelay $0x1  }
0x77: {  	v52 =	vmul.f32 v16, v16;
	_ =	sdelay $0x1  }
0x78: {  	v6 =	vcvt.s32.f32 v6;
	v53 =	vmul.f32 $1.428571490e-01, v52  }
0x79: {  	v32 =	vld [tilespmem:$0x4C0]  }
0x7a: {  	v5 =	vsub.f32 v5, v6;
	v11 =	vadd.f32 $2.000000030e-01, v53;
	v31 =	vpop (erf)  }
0x7b: {  	v13 =	vcvt.s32.f32 v13;
	vm2 =	vgt.f32 v12, $5.000000000e-01;
	v18 =	vadd.f32 $-1.000000000e+00, v18;
	v54 =	vpop (erf)  }
0x7c: {  	vm14 =	vgt.f32 v3, $5.000000000e-01;
	v33 =	vmul.f32 v11, v52;
	v11 =	vadd.f32 $1.000000000e+00, v54  }
0x7d: {  	v7 =	vsub.f32 v63, v13;
	vm15 =	vgt.f32 v2, $5.000000000e-01;
	v18 =	vmul.f32 v19, v18  }
0x7e: {  	v36 =	vsub.f32 $0.0e+00, v32;
	v21 =	vadd.f32 $-1.000000000e+00, v21;
	v34 =	vand.u32 $0x7FFFFF, v11  }
0x7f: {  	v15 =	vshrl.u32 v15, $0x17;
	v55 =	vmul.f32 v18, v18;
	v34 =	vor.u32 $0x3F800000, v34  }
0x80: {  	v15 =	vand.u32 $0xFF, v15;
	v21 =	vmul.f32 v22, v21;
	v56 =	vadd.f32 $1.000000000e+00, v34  }
0x81: {  	v58 =	vmul.f32 $1.442695020e+00, v36;
	v15 =	vadd.s32 $0xFFFFFF81, v15;
	v35 =	vmul.f32 $1.428571490e-01, v55  }
0x82: {  	v17 =	vshrl.u32 v17, $0x17;
	v59 =	vmul.f32 v21, v21;
	(erf) = vrcp.f32 v56  }
0x83: {  	v15 =	vcvt.s32.f32 v15;
	v17 =	vand.u32 $0xFF, v17;
	(erf) = vpow2.f32 v58  }
0x84: {  	v63 =	vadd.s32 $0xFFFFFF81, v17;
	v57 =	vadd.f32 $2.000000030e-01, v35;
	v60 =	vmul.f32 $1.428571490e-01, v59  }
0x85: {  	vm1 =	vmand vm0, vm1;
	v51 =	vmul.f32 $1.442695020e+00, v32;
	v37 =	vcvt.s32.f32 v63  }
0x86: {  	v15 =	vmul.f32 $6.931471820e-01, v15;
	v22 =	vmul.f32 v57, v55;
	v61 =	vadd.f32 $2.000000030e-01, v60  }
0x87: {  	v16 =	vadd.f32 v16, v16;
	v41 =	vmul.f32 $6.931471820e-01, v37;
	v42 =	vshrl.u32 v20, $0x17  }
0x88: {  	v44 =	vand.u32 $0xFF, v42;
	v22 =	vadd.f32 $3.333333430e-01, v22;
	v36 =	vmul.f32 v61, v59  }
0x89: {  	v33 =	vadd.f32 $3.333333430e-01, v33;
	v45 =	vadd.s32 $0xFFFFFF81, v44;
	v21 =	vadd.f32 v21, v21  }
0x8a: {  	v14 =	vshrl.u32 v14, $0x17;
	v19 =	vmul.f32 v22, v55;
	v39 =	vadd.f32 $3.333333430e-01, v36  }
0x8b: {  	v14 =	vand.u32 $0xFF, v14;
	v38 =	vadd.f32 $-1.000000000e+00, v23;
	v26 =	vmul.f32 v33, v52;
	v40 =	vpop (erf)  }
0x8c: {  	v35 =	vadd.f32 $1.000000000e+00, v19;
	v19 =	vcvt.s32.f32 v45;
	v17 =	vmul.f32 v39, v59;
	v43 =	vpop (erf)  }
0x8d: {  	v14 =	vadd.s32 $0xFFFFFF81, v14;
	v26 =	vadd.f32 $1.000000000e+00, v26;
	v12 =	vadd.f32 $1.000000000e+00, v43  }
0x8e: {  	v19 =	vmul.f32 $6.931471820e-01, v19;
	v17 =	vadd.f32 $1.000000000e+00, v17;
	v9 =	vshrl.u32 v9, $0x17  }
0x8f: {  	v9 =	vand.u32 $0xFF, v9;
	v16 =	vmul.f32 v26, v16;
	v47 =	vand.u32 $0x7FFFFF, v12  }
0x90: {  	v17 =	vmul.f32 v17, v21;
	v9 =	vadd.s32 $0xFFFFFF81, v9;
	v22 =	vor.u32 $0x3F800000, v47  }
0x91: {  	v62 =	vadd.f32 v16, v15;
	v15 =	vmul.f32 v24, v38;
	v50 =	vadd.f32 $1.000000000e+00, v22  }
0x92: {  	vm13 =	veq.s32 v8, $0x0;
	v59 =	vcvt.s32.f32 v14;
	v9 =	vcvt.s32.f32 v9  }
0x93: {  	v17 =	vadd.f32 v17, v19;
	v46 =	vmul.f32 v15, v15;
	(erf) = vrcp.f32 v50  }
0x94: {  	v49 =	vadd.f32 $-1.000000000e+00, v25;
	v4 =	vshrl.u32 v4, $0x17;
	(erf) = vpow2.f32 v51  }
0x95: {  	v2 =	vmul.f32 $6.931471820e-01, v9;
	v4 =	vand.u32 $0xFF, v4;
	v48 =	vmul.f32 $1.428571490e-01, v46  }
0x96: {  	v21 =	vmul.f32 v27, v49;
	v4 =	vadd.s32 $0xFFFFFF81, v4;
	v26 =	vadd.f32 v18, v18  }
0x97: {  	v4 =	vcvt.s32.f32 v4;
	v10 =	vshrl.u32 v10, $0x17;
	v23 =	vadd.f32 $2.000000030e-01, v48  }
0x98: {  	v10 =	vand.u32 $0xFF, v10;
	v16 =	vmul.f32 v35, v26;
	v13 =	vmul.f32 $2.500000000e+00, v62  }
0x99: {  	v27 =	vadd.f32 $-1.000000000e+00, v30;
	v54 =	vmul.f32 v21, v21;
	v52 =	vmul.f32 v23, v46  }
0x9a: {  	v10 =	vadd.s32 $0xFFFFFF81, v10;
	v16 =	vadd.f32 v16, v41;
	v13 =	vsub.f32 $0.0e+00, v13  }
0x9b: {  	v15 =	vadd.f32 v15, v15;
	v57 =	vmul.f32 $1.428571490e-01, v54;
	v53 =	vadd.f32 $3.333333430e-01, v52  }
0x9c: {  	v16 =	vmul.f32 $5.000000000e+00, v16;
	v13 =	vnsel vm2, $0x0, v13;
	v58 =	vadd.f32 $-1.000000000e+00, v28;
	v61 =	vpop (erf)  }
0x9d: {  	v56 =	vmul.f32 $2.500000000e+00, v17;
	v17 =	vadd.f32 $2.000000030e-01, v57;
	v8 =	vmul.f32 v53, v46;
	v28 =	vpop (erf)  }
0x9e: {  	v55 =	vnsel vm13, $0x0, v16;
	v60 =	vmul.f32 v29, v58;
	v23 =	vadd.f32 $1.000000000e+00, v28  }
0x9f: {  	v6 =	vadd.f32 v55, v13;
	v62 =	vmul.f32 v17, v54;
	v8 =	vadd.f32 $1.000000000e+00, v8  }
0xa0: {  	v17 =	vmul.f32 v31, v27;
	v63 =	vmul.f32 v60, v60;
	v31 =	vand.u32 $0x7FFFFF, v23  }
0xa1: {  	v13 =	vmul.f32 $6.931471820e-01, v59;
	v3 =	vmul.f32 v8, v15;
	v24 =	vor.u32 $0x3F800000, v31  }
0xa2: {  	v30 =	vadd.f32 $-1.000000000e+00, v34;
	v29 =	vmul.f32 $1.428571490e-01, v63;
	v33 =	vadd.f32 $1.000000000e+00, v24  }
0xa3: {  	v4 =	vmul.f32 $6.931471820e-01, v4;
	v10 =	vcvt.s32.f32 v10;
	v3 =	vadd.f32 v3, v13  }
0xa4: {  	v13 =	vadd.f32 $2.000000030e-01, v29;
	v18 =	vmul.f32 v40, v30;
	(erf) = vrcp.f32 v33  }
0xa5: {  	v10 =	vmul.f32 $6.931471820e-01, v10;
	v11 =	vshrl.u32 v11, $0x17;
	v8 =	vadd.f32 $3.333333430e-01, v62  }
0xa6: {  	v11 =	vand.u32 $0xFF, v11;
	v13 =	vmul.f32 v13, v63;
	v35 =	vmul.f32 v18, v18  }
0xa7: {  	v21 =	vadd.f32 v21, v21;
	v11 =	vadd.s32 $0xFFFFFF81, v11;
	v8 =	vmul.f32 v8, v54  }
0xa8: {  	v16 =	vnsel vm14, $0x0, v56;
	v13 =	vadd.f32 $3.333333430e-01, v13;
	v36 =	vmul.f32 $1.428571490e-01, v35  }
0xa9: {  	v6 =	vsub.f32 v6, v16;
	v32 =	vmul.f32 v17, v17;
	v8 =	vadd.f32 $1.000000000e+00, v8  }
0xaa: {  	v14 =	vadd.f32 v60, v60;
	v38 =	vmul.f32 v13, v63;
	v40 =	vadd.f32 $2.000000030e-01, v36  }
0xab: {  	v34 =	vmul.f32 $1.428571490e-01, v32;
	v37 =	vmul.f32 v8, v21;
	v41 =	vadd.f32 $-1.000000000e+00, v22  }
0xac: {  	v8 =	vadd.f32 $1.000000000e+00, v38;
	v15 =	vmul.f32 v40, v35;
	v42 =	vadd.f32 $-1.000000000e+00, v24  }
0xad: {  	v16 =	vadd.f32 $2.000000030e-01, v34;
	v3 =	vmul.f32 $5.000000000e+00, v3;
	v43 =	vmul.f32 v61, v41;
	v44 =	vpop (erf)  }
0xae: {  	v8 =	vmul.f32 v8, v14;
	v15 =	vadd.f32 $3.333333430e-01, v15;
	v14 =	vmul.f32 v44, v42  }
0xaf: {  	v45 =	vadd.f32 v17, v17;
	v39 =	vmul.f32 v16, v32;
	v46 =	vmul.f32 v43, v43  }
0xb0: {  	v3 =	vnsel vm1, $0x0, v3;
	v15 =	vmul.f32 v15, v35;
	v47 =	vmul.f32 v14, v14  }
0xb1: {  	v18 =	vadd.f32 v18, v18;
	v3 =	vadd.f32 v6, v3;
	v48 =	vmul.f32 $1.428571490e-01, v46  }
0xb2: {  	v13 =	vadd.f32 $3.333333430e-01, v39;
	v15 =	vadd.f32 $1.000000000e+00, v15;
	v49 =	vmul.f32 $1.428571490e-01, v47  }
0xb3: {  	v12 =	vshrl.u32 v12, $0x17;
	v2 =	vadd.f32 v37, v2;
	v16 =	vadd.f32 $2.000000030e-01, v48  }
0xb4: {  	v13 =	vmul.f32 v13, v32;
	v15 =	vmul.f32 v15, v18;
	v18 =	vadd.f32 $2.000000030e-01, v49  }
0xb5: {  	v12 =	vand.u32 $0xFF, v12;
	v50 =	vcvt.s32.f32 v11;
	v51 =	vmul.f32 v16, v46  }
0xb6: {  	v12 =	vadd.s32 $0xFFFFFF81, v12;
	v13 =	vadd.f32 $1.000000000e+00, v13;
	v52 =	vmul.f32 v18, v47  }
0xb7: {  	v12 =	vcvt.s32.f32 v12;
	v6 =	vmul.f32 $6.931471820e-01, v50;
	v11 =	vadd.f32 $3.333333430e-01, v51  }
0xb8: {  	v13 =	vmul.f32 v13, v45;
	v54 =	vshrl.u32 v23, $0x17;
	v53 =	vadd.f32 $3.333333430e-01, v52  }
0xb9: {  	v6 =	vadd.f32 v15, v6;
	v15 =	vand.u32 $0xFF, v54;
	v11 =	vmul.f32 v11, v46  }
0xba: {  	v10 =	vadd.f32 v13, v10;
	v15 =	vadd.s32 $0xFFFFFF81, v15;
	v13 =	vmul.f32 v53, v47  }
0xbb: {  	v9 =	vadd.f32 v43, v43;
	v15 =	vcvt.s32.f32 v15;
	v11 =	vadd.f32 $1.000000000e+00, v11  }
0xbc: {  	v2 =	vmul.f32 $2.500000000e+00, v2;
	v14 =	vadd.f32 v14, v14;
	v13 =	vadd.f32 $1.000000000e+00, v13  }
0xbd: {  	v59 =	vsub.f32 $1.000000000e+00, v5;
	v55 =	vmul.f32 $6.931471820e-01, v12;
	v57 =	vmul.f32 $6.931471820e-01, v15  }
0xbe: {  	v56 =	vsub.f32 $1.000000000e+00, v7;
	v9 =	vmul.f32 v11, v9;
	v13 =	vmul.f32 v13, v14  }
0xbf: {  	v2 =	vnsel vm15, $0x0, v2;
	v4 =	vadd.f32 v8, v4;
	v7 =	vmul.f32 v10, v7  }
0xc0: {  	v6 =	vmul.f32 v6, v56;
	v58 =	vadd.f32 v9, v55;
	v60 =	vadd.f32 v13, v57  }
0xc1: {  	v2 =	vsub.f32 v3, v2;
	v3 =	vmul.f32 $5.000000000e+00, v4  }
0xc2: {  	v61 =	vadd.f32 v7, v6;
	v5 =	vmul.f32 v58, v5;
	v62 =	vmul.f32 v60, v59  }
0xc3: {  	v3 =	vsel vm0, $0x0, v3  }
0xc4: {  	v2 =	vadd.f32 v2, v3;
	v3 =	vmul.f32 $2.500000000e+00, v61;
	v63 =	vadd.f32 v5, v62;
	_ =	sdelay $0x1  }
0xc5: {  	v2 =	vadd.f32 v2, v3;
	v3 =	vmul.f32 $2.500000000e+00, v63;
	_ =	sdelay $0x1  }
0xc6: {  	v2 =	vadd.f32 v2, v3;
	_ =	sdelay $0x1  }
0xc7: {  	v2 =	vmul.f32 $1.271565790e-06, v2  }
0xc8: {  	p0 =	sne.s32 s5, $0x1  }
.Ltmp1:
0xc9: {  	[tilespmem:$0x500] =	vst v2;
	(pc) =	sbr.rel @p0 .LBB2_2-.Ltmp1, $4  }
0xca: {  	[hbm4b:s4+s6] =	stream.linear.scatter [tilespmem:s12], [sflag:$0x2], $0x80, $0x38;
	[tilespmem:$0x580] =	vst v63  }
0xcb: {  	_ =	swait.ge [sflag:s7], $0x80  }
0xcc: {  	[sflag:s7] =	ssyncset.done $0x0  }
0xcd: {  	s5 =	sadd.s32 $0xFFFFFFFF, s5;
	[sflag:s7] =	ssyncadd.s32 $0xFFFFFF80  }
.LBB2_3:
0xce: {  	_ =	sfence.sel $0x180000  }
0xcf: {  	[bflag:$0x0] =	sbarrier.arrive $0xFFFF  }
0xd0: {  	p0 =	sne.s32 s0, $0x0;
	_ =	strace $0x90000047  }
0xd1: {  	s0 =	sadd.s32 @!p0 $0x100000, s1;
	[bflag:$0x2] =	sbarrier.arrive $0xFFFF  }
0xd2: {  	[sflag:s0] =	ssyncadd.tile.s32 @!p0 $0x1;
	_ =	shalt  }
.Lfunc_end2:
_tile_overlayer_lowered:
.L_overlay_start_2:
0xd3: {  	(tag) =	ssettag $0x2  }
0xd4: {  	s0 =	rddreg [dreg:$0x0];
	s2 =	stileid.u32  }
0xd5: {  	s1 =	rddreg [dreg:$0x1];
	p0 =	sne.s32 s2, $0x0  }
0xd6: {  	s3 =	rddreg [dreg:$0x2];
	[bflag:$0x3] =	sbarrier.arrive $0xFFFF;
	s2 =	simm.s32 @!p0 $0x1C02  }
0xd7: {  	[timem:s3], [sflag:s2] =	dma.local @!p0 [hbm:s0], s1  }
0xd8: {  	s0 =	simm.s32 @!p0 $0x2  }
0xd9: {  	_ =	swait.ge @!p0 [sflag:s0], s1  }
0xda: {  	s1 =	ssub.s32 @!p0 $0x0, s1;
	[sflag:s0] =	ssyncset.done @!p0 $0x0  }
0xdb: {  	[sflag:s0] =	ssyncadd.s32 @!p0 s1  }
0xdc: {  	[bflag:$0x3] =	sbarrier.arrive $0xFFFF  }
0xdd: {  	_ =	shalt  }

</sc_bundles>
